<compile_context>
chip_gen: v7x
topology: tpu7x:2x2x1
jax: 0.10.2.dev20260603
libtpu: 0.0.44.dev20260713+nightly
codegen_flags: <defaults>
</compile_context>

<pallas_src>
import functools

import jax
import jax.numpy as jnp
from jax import lax
from jax.experimental import pallas as pl
from jax.experimental.pallas import tpu as pltpu
from jax.experimental.pallas import tpu_sc as plsc

SEQ_LEN = 200
BATCH = 4096
EMB_DIM = 64
VOCAB = 1000000
WIDE = 128
LANE = 128
B = SEQ_LEN * BATCH
NC, NS = 2, 16
NW = NC * NS
LPW = B // NW
CHUNK = 128
KG = CHUNK // LANE
NCHUNK = LPW // CHUNK
NBUF = 2
NOUT = NCHUNK // NBUF

_mesh = plsc.VectorSubcoreMesh(core_axis_name="c", subcore_axis_name="s")


@functools.partial(
    pl.kernel,
    mesh=_mesh,
    out_type=jax.ShapeDtypeStruct((SEQ_LEN, BATCH, WIDE), jnp.float32),
    scratch_types=[
        pltpu.VMEM((NBUF, KG, LANE), jnp.int32),
        pltpu.VMEM((NBUF, CHUNK, EMB_DIM), jnp.float32),
        pltpu.SemaphoreType.DMA((NBUF,)),
        pltpu.SemaphoreType.DMA((NBUF,)),
    ],
    compiler_params=pltpu.CompilerParams(use_tc_tiling_on_sc=False),
)
def _emb_lookup(words_hbm, table_hbm, out_hbm, idx_v, rows_v, gsem, wsem):
    wid = lax.axis_index("s") * NC + lax.axis_index("c")
    base = wid * LPW

    def body(t, carry):
        for b in range(NBUF):
            lk0 = base + (t * NBUF + b) * CHUNK

            @pl.when(t > 0)
            def _():
                pv = lk0 - NBUF * CHUNK
                pltpu.make_async_copy(
                    rows_v.at[b],
                    out_hbm.at[pv // BATCH, pl.ds(pv % BATCH, CHUNK),
                               pl.ds(0, EMB_DIM)],
                    wsem.at[b]).wait()

            for g in range(KG):
                lk = lk0 + g * LANE
                pltpu.sync_copy(
                    words_hbm.at[lk // BATCH, pl.ds(lk % BATCH, LANE)],
                    idx_v.at[b, g])
                pltpu.async_copy(
                    table_hbm.at[idx_v.at[b, g]],
                    rows_v.at[b, pl.ds(g * LANE, LANE)], gsem.at[b])
        for b in range(NBUF):
            lk0 = base + (t * NBUF + b) * CHUNK
            for g in range(KG):
                pltpu.make_async_copy(
                    table_hbm.at[idx_v.at[b, g]],
                    rows_v.at[b, pl.ds(g * LANE, LANE)], gsem.at[b]).wait()
            pltpu.async_copy(
                rows_v.at[b],
                out_hbm.at[lk0 // BATCH, pl.ds(lk0 % BATCH, CHUNK),
                           pl.ds(0, EMB_DIM)],
                wsem.at[b])
        return carry

    lax.fori_loop(0, NOUT, body, 0)
    for b in range(NBUF):
        lk0 = base + ((NOUT - 1) * NBUF + b) * CHUNK
        pltpu.make_async_copy(
            rows_v.at[b],
            out_hbm.at[lk0 // BATCH, pl.ds(lk0 % BATCH, CHUNK),
                       pl.ds(0, EMB_DIM)],
            wsem.at[b]).wait()


def kernel(words, lut_weight):
    table_wide = jnp.pad(lut_weight, ((0, 0), (0, WIDE - EMB_DIM)))
    table2 = table_wide.reshape(2 * VOCAB, EMB_DIM)
    out = _emb_lookup(words.astype(jnp.int32) * 2, table2)
    return out[..., :EMB_DIM]

# --- scband reference (transcript-rebuilt; emitter-appended) ---
"""Pipeline reference for scband-word-embedding-60112362275453 (READ-ONLY COPY).

The authoritative reference and input builder live on the scoring server;
editing this copy changes nothing except your own understanding.
"""

import jax, jax.numpy as jnp
import numpy as np

VOCAB = 1000000
EMB_DIM = 64
SEQ_LEN = 200
BATCH = 4096

def setup_inputs(seed: int = 0) -> dict:
    key = jax.random.key(seed)
    k1, k2 = jax.random.split(key)
    words = jax.random.randint(k1, (SEQ_LEN, BATCH), 0, VOCAB, dtype=jnp.int64 if jax.config.jax_enable_x64 else jnp.int32)
    # Embedding table initialized uniform(-0.1, 0.1), matching lut.weight.data.uniform_(-0.1, 0.1)
    lut_weight = jax.random.uniform(k2, (VOCAB, EMB_DIM), minval=-0.1, maxval=0.1, dtype=jnp.float32)
    return {"words": words, "lut_weight": lut_weight}

def reference(words, lut_weight):
    # Equivalent of nn.Embedding forward: gather rows of the table.
    # words: [seq_len, batch] -> out: [seq_len, batch, emb_dim]
    return jnp.take(lut_weight, words, axis=0)

if __name__ == "__main__":
    import jax
    _d = setup_inputs()
    print(jax.jit(kernel)(*tuple(_d.values())))

</pallas_src>

<mosaic_0001>
#map = affine_map<(d0, d1) -> (0, 0)>
#map1 = affine_map<(d0, d1) -> (0, 0, 0)>
module attributes {stable_mosaic.version = 14 : i64} {
  func.func @_emb_lookup(%arg0: i32, %arg1: i32, %arg2: memref<200x4096xi32, #tpu.memory_space<hbm>>, %arg3: memref<2000000x64xf32, #tpu.memory_space<hbm>>, %arg4: memref<200x4096x128xf32, #tpu.memory_space<hbm>>, %arg5: memref<2x1x128xi32, #tpu.memory_space<vmem>>, %arg6: memref<2x128x64xf32, #tpu.memory_space<vmem>>, %arg7: memref<2x!tpu.dma_semaphore, #tpu.memory_space<semaphore_mem>>, %arg8: memref<2x!tpu.dma_semaphore, #tpu.memory_space<semaphore_mem>>) attributes {dimension_semantics = [#tpu.dimension_semantics<core_parallel>, #tpu.dimension_semantics<subcore_parallel>], iteration_bounds = array<i64: 2, 16>, scalar_prefetch = 0 : i64, scratch_operands = 4 : i64, tpu.core_type = #tpu.core_type<sc_vector_subcore>, window_params = [{transform_indices = #map}, {transform_indices = #map}, {transform_indices = #map1}]} {
    %mul3A = arith.constant 2 : i32
    %mul3A_0 = arith.muli %arg1, %mul3A : i32
    %add3A = arith.addi %mul3A_0, %arg0 : i32
    %mul3A_1 = arith.constant 25600 : i32
    %mul3A_2 = arith.muli %add3A, %mul3A_1 : i32
    %scan3A = arith.constant 0 : i32
    %scan3A_3 = arith.constant 0 : i32
    %scan3A_4 = arith.constant 100 : i32
    %scan3A_5 = arith.addi %scan3A_3, %scan3A_4 : i32
    %scan3A_6 = arith.constant 1 : i32
    scf.for %scan3A_117 = %scan3A_3 to %scan3A_5 step %scan3A_6  : i32 {
      %mul3A_118 = arith.constant 2 : i32
      %mul3A_119 = arith.muli %scan3A_117, %mul3A_118 : i32
      %add3A_120 = arith.constant 0 : i32
      %add3A_121 = arith.addi %mul3A_119, %add3A_120 : i32
      %mul3A_122 = arith.constant 128 : i32
      %mul3A_123 = arith.muli %add3A_121, %mul3A_122 : i32
      %add3A_124 = arith.addi %mul3A_2, %mul3A_123 : i32
      %gt3A = arith.constant 0 : i32
      %gt3A_125 = arith.cmpi sgt, %scan3A_117, %gt3A : i32
      %convert_element_type3A = arith.extui %gt3A_125 : i1 to i32
      %cond3A = arith.constant 0 : i32
      %cond3A_126 = arith.cmpi ne, %convert_element_type3A, %cond3A : i32
      scf.if %cond3A_126 {
        %sub3A_419 = arith.constant 256 : i32
        %sub3A_420 = arith.subi %add3A_124, %sub3A_419 : i32
        %jit3A_421 = arith.constant 4096 : i32
        %div3A_422 = arith.divsi %sub3A_420, %jit3A_421 : i32
        %sign3A_423 = arith.constant 0 : i32
        %sign3A_424 = arith.cmpi sgt, %sub3A_420, %sign3A_423 : i32
        %sign3A_425 = arith.extui %sign3A_424 : i1 to i32
        %sign3A_426 = arith.constant 0 : i32
        %sign3A_427 = arith.cmpi slt, %sub3A_420, %sign3A_426 : i32
        %sign3A_428 = arith.extui %sign3A_427 : i1 to i32
        %sign3A_429 = arith.subi %sign3A_425, %sign3A_428 : i32
        %sign3A_430 = arith.constant 0 : i32
        %sign3A_431 = arith.cmpi sgt, %jit3A_421, %sign3A_430 : i32
        %sign3A_432 = arith.extui %sign3A_431 : i1 to i32
        %sign3A_433 = arith.constant 0 : i32
        %sign3A_434 = arith.cmpi slt, %jit3A_421, %sign3A_433 : i32
        %sign3A_435 = arith.extui %sign3A_434 : i1 to i32
        %sign3A_436 = arith.subi %sign3A_432, %sign3A_435 : i32
        %ne3A_437 = arith.cmpi ne, %sign3A_429, %sign3A_436 : i32
        %rem3A_438 = arith.remsi %sub3A_420, %jit3A_421 : i32
        %ne3A_439 = arith.constant 0 : i32
        %ne3A_440 = arith.cmpi ne, %rem3A_438, %ne3A_439 : i32
        %and3A_441 = arith.andi %ne3A_437, %ne3A_440 : i1
        %sub3A_442 = arith.constant 1 : i32
        %sub3A_443 = arith.subi %div3A_422, %sub3A_442 : i32
        %select_n3A_444 = arith.select %and3A_441, %sub3A_443, %div3A_422 : i32
        %jit3A_445 = arith.constant 4096 : i32
        %eq3A_446 = arith.constant 0 : i32
        %eq3A_447 = arith.cmpi eq, %jit3A_445, %eq3A_446 : i32
        %jit3A_448 = arith.constant 1 : i32
        %select_n3A_449 = arith.select %eq3A_447, %jit3A_448, %jit3A_445 : i32
        %rem3A_450 = arith.remsi %sub3A_420, %select_n3A_449 : i32
        %ne3A_451 = arith.constant 0 : i32
        %ne3A_452 = arith.cmpi ne, %rem3A_450, %ne3A_451 : i32
        %lt3A_453 = arith.constant 0 : i32
        %lt3A_454 = arith.cmpi slt, %rem3A_450, %lt3A_453 : i32
        %lt3A_455 = arith.constant 0 : i32
        %lt3A_456 = arith.cmpi slt, %select_n3A_449, %lt3A_455 : i32
        %ne3A_457 = arith.xori %lt3A_454, %lt3A_456 : i1
        %and3A_458 = arith.andi %ne3A_457, %ne3A_452 : i1
        %add3A_459 = arith.addi %rem3A_450, %select_n3A_449 : i32
        %select_n3A_460 = arith.select %and3A_458, %add3A_459, %rem3A_450 : i32
        %dma_wait3A_461 = arith.constant 0 : i32
        %dma_wait3A_462 = arith.constant 0 : i32
        %dma_wait3A_463 = arith.constant 0 : i32
        %dma_wait3A_464 = arith.constant 0 : i32
        %dma_wait3A_465 = tpu.memref_slice %arg6[%dma_wait3A_461, %dma_wait3A_463, %dma_wait3A_464] : memref<2x128x64xf32, #tpu.memory_space<vmem>> -> memref<1x128x64xf32, #tpu.memory_space<vmem>>
        %dma_wait3A_466 = tpu.memref_squeeze %dma_wait3A_465 : memref<1x128x64xf32, #tpu.memory_space<vmem>> -> memref<128x64xf32, #tpu.memory_space<vmem>>
        %dma_wait3A_467 = arith.constant 0 : i32
        %dma_wait3A_468 = tpu.memref_slice %arg4[%select_n3A_444, %select_n3A_460, %dma_wait3A_467] : memref<200x4096x128xf32, #tpu.memory_space<hbm>> -> memref<1x128x64xf32, #tpu.memory_space<hbm>>
        %dma_wait3A_469 = tpu.memref_squeeze %dma_wait3A_468 : memref<1x128x64xf32, #tpu.memory_space<hbm>> -> memref<128x64xf32, #tpu.memory_space<hbm>>
        %dma_wait3A_470 = tpu.memref_slice %arg8[%dma_wait3A_462] : memref<2x!tpu.dma_semaphore, #tpu.memory_space<semaphore_mem>> -> memref<1x!tpu.dma_semaphore, #tpu.memory_space<semaphore_mem>>
        %dma_wait3A_471 = tpu.memref_squeeze %dma_wait3A_470 : memref<1x!tpu.dma_semaphore, #tpu.memory_space<semaphore_mem>> -> memref<!tpu.dma_semaphore, #tpu.memory_space<semaphore_mem>>
        %dma_wait3A_472 = arith.constant 0 : i32
        %dma_wait3A_473 = tpu.memref_slice %arg4[%select_n3A_444, %select_n3A_460, %dma_wait3A_472] : memref<200x4096x128xf32, #tpu.memory_space<hbm>> -> memref<1x128x64xf32, #tpu.memory_space<hbm>>
        %dma_wait3A_474 = tpu.memref_squeeze %dma_wait3A_473 : memref<1x128x64xf32, #tpu.memory_space<hbm>> -> memref<128x64xf32, #tpu.memory_space<hbm>>
        %dma_wait3A_475 = arith.constant 0 : i32
        %dma_wait3A_476 = arith.constant 0 : i32
        %dma_wait3A_477 = tpu.memref_slice %arg6[%dma_wait3A_461, %dma_wait3A_475, %dma_wait3A_476] : memref<2x128x64xf32, #tpu.memory_space<vmem>> -> memref<1x128x64xf32, #tpu.memory_space<vmem>>
        %dma_wait3A_478 = tpu.memref_squeeze %dma_wait3A_477 : memref<1x128x64xf32, #tpu.memory_space<vmem>> -> memref<128x64xf32, #tpu.memory_space<vmem>>
        tpu.wait_dma2 semaphore(%dma_wait3A_471 : memref<!tpu.dma_semaphore, #tpu.memory_space<semaphore_mem>>) src(%dma_wait3A_478 : memref<128x64xf32, #tpu.memory_space<vmem>>) dst(%dma_wait3A_474 : memref<128x64xf32, #tpu.memory_space<hbm>>)
      } else {
      }
      %add3A_127 = arith.constant 0 : i32
      %add3A_128 = arith.addi %add3A_124, %add3A_127 : i32
      %jit3A_129 = arith.constant 4096 : i32
      %div3A_130 = arith.divsi %add3A_128, %jit3A_129 : i32
      %sign3A_131 = arith.constant 0 : i32
      %sign3A_132 = arith.cmpi sgt, %add3A_128, %sign3A_131 : i32
      %sign3A_133 = arith.extui %sign3A_132 : i1 to i32
      %sign3A_134 = arith.constant 0 : i32
      %sign3A_135 = arith.cmpi slt, %add3A_128, %sign3A_134 : i32
      %sign3A_136 = arith.extui %sign3A_135 : i1 to i32
      %sign3A_137 = arith.subi %sign3A_133, %sign3A_136 : i32
      %sign3A_138 = arith.constant 0 : i32
      %sign3A_139 = arith.cmpi sgt, %jit3A_129, %sign3A_138 : i32
      %sign3A_140 = arith.extui %sign3A_139 : i1 to i32
      %sign3A_141 = arith.constant 0 : i32
      %sign3A_142 = arith.cmpi slt, %jit3A_129, %sign3A_141 : i32
      %sign3A_143 = arith.extui %sign3A_142 : i1 to i32
      %sign3A_144 = arith.subi %sign3A_140, %sign3A_143 : i32
      %ne3A_145 = arith.cmpi ne, %sign3A_137, %sign3A_144 : i32
      %rem3A_146 = arith.remsi %add3A_128, %jit3A_129 : i32
      %ne3A_147 = arith.constant 0 : i32
      %ne3A_148 = arith.cmpi ne, %rem3A_146, %ne3A_147 : i32
      %and3A_149 = arith.andi %ne3A_145, %ne3A_148 : i1
      %sub3A_150 = arith.constant 1 : i32
      %sub3A_151 = arith.subi %div3A_130, %sub3A_150 : i32
      %select_n3A_152 = arith.select %and3A_149, %sub3A_151, %div3A_130 : i32
      %jit3A_153 = arith.constant 4096 : i32
      %eq3A_154 = arith.constant 0 : i32
      %eq3A_155 = arith.cmpi eq, %jit3A_153, %eq3A_154 : i32
      %jit3A_156 = arith.constant 1 : i32
      %select_n3A_157 = arith.select %eq3A_155, %jit3A_156, %jit3A_153 : i32
      %rem3A_158 = arith.remsi %add3A_128, %select_n3A_157 : i32
      %ne3A_159 = arith.constant 0 : i32
      %ne3A_160 = arith.cmpi ne, %rem3A_158, %ne3A_159 : i32
      %lt3A_161 = arith.constant 0 : i32
      %lt3A_162 = arith.cmpi slt, %rem3A_158, %lt3A_161 : i32
      %lt3A_163 = arith.constant 0 : i32
      %lt3A_164 = arith.cmpi slt, %select_n3A_157, %lt3A_163 : i32
      %ne3A_165 = arith.xori %lt3A_162, %lt3A_164 : i1
      %and3A_166 = arith.andi %ne3A_165, %ne3A_160 : i1
      %add3A_167 = arith.addi %rem3A_158, %select_n3A_157 : i32
      %select_n3A_168 = arith.select %and3A_166, %add3A_167, %rem3A_158 : i32
      %run_scoped3A = arith.constant 0 : i32
      %run_scoped3A_169 = arith.constant 0 : i32
      "tpu.region"() ({
        %run_scoped3A_419 = tpu.sem_alloc : memref<!tpu.dma_semaphore, #tpu.memory_space<semaphore_mem>>
        %dma_start3A_420 = arith.constant 0 : i32
        %dma_start3A_421 = tpu.memref_slice %arg5[%run_scoped3A, %run_scoped3A_169, %dma_start3A_420] : memref<2x1x128xi32, #tpu.memory_space<vmem>> -> memref<1x1x128xi32, #tpu.memory_space<vmem>>
        %dma_start3A_422 = tpu.memref_squeeze %dma_start3A_421 : memref<1x1x128xi32, #tpu.memory_space<vmem>> -> memref<128xi32, #tpu.memory_space<vmem>>
        %dma_start3A_423 = tpu.memref_slice %arg2[%select_n3A_152, %select_n3A_168] : memref<200x4096xi32, #tpu.memory_space<hbm>> -> memref<1x128xi32, #tpu.memory_space<hbm>>
        %dma_start3A_424 = tpu.memref_squeeze %dma_start3A_423 : memref<1x128xi32, #tpu.memory_space<hbm>> -> memref<128xi32, #tpu.memory_space<hbm>>
        %dma_start3A_425 = arith.constant 0 : i32
        %dma_start3A_426 = tpu.memref_slice %arg5[%run_scoped3A, %run_scoped3A_169, %dma_start3A_425] : memref<2x1x128xi32, #tpu.memory_space<vmem>> -> memref<1x1x128xi32, #tpu.memory_space<vmem>>
        %dma_start3A_427 = tpu.memref_squeeze %dma_start3A_426 : memref<1x1x128xi32, #tpu.memory_space<vmem>> -> memref<128xi32, #tpu.memory_space<vmem>>
        %dma_start3A_428 = tpu.memref_slice %arg2[%select_n3A_152, %select_n3A_168] : memref<200x4096xi32, #tpu.memory_space<hbm>> -> memref<1x128xi32, #tpu.memory_space<hbm>>
        %dma_start3A_429 = tpu.memref_squeeze %dma_start3A_428 : memref<1x128xi32, #tpu.memory_space<hbm>> -> memref<128xi32, #tpu.memory_space<hbm>>
        tpu.enqueue_dma source(%dma_start3A_429 : memref<128xi32, #tpu.memory_space<hbm>>) target(%dma_start3A_427 : memref<128xi32, #tpu.memory_space<vmem>>) target_semaphore(%run_scoped3A_419 : memref<!tpu.dma_semaphore, #tpu.memory_space<semaphore_mem>>)
        %dma_wait3A_430 = arith.constant 0 : i32
        %dma_wait3A_431 = tpu.memref_slice %arg5[%run_scoped3A, %run_scoped3A_169, %dma_wait3A_430] : memref<2x1x128xi32, #tpu.memory_space<vmem>> -> memref<1x1x128xi32, #tpu.memory_space<vmem>>
        %dma_wait3A_432 = tpu.memref_squeeze %dma_wait3A_431 : memref<1x1x128xi32, #tpu.memory_space<vmem>> -> memref<128xi32, #tpu.memory_space<vmem>>
        %dma_wait3A_433 = tpu.memref_slice %arg2[%select_n3A_152, %select_n3A_168] : memref<200x4096xi32, #tpu.memory_space<hbm>> -> memref<1x128xi32, #tpu.memory_space<hbm>>
        %dma_wait3A_434 = tpu.memref_squeeze %dma_wait3A_433 : memref<1x128xi32, #tpu.memory_space<hbm>> -> memref<128xi32, #tpu.memory_space<hbm>>
        %dma_wait3A_435 = arith.constant 0 : i32
        %dma_wait3A_436 = tpu.memref_slice %arg5[%run_scoped3A, %run_scoped3A_169, %dma_wait3A_435] : memref<2x1x128xi32, #tpu.memory_space<vmem>> -> memref<1x1x128xi32, #tpu.memory_space<vmem>>
        %dma_wait3A_437 = tpu.memref_squeeze %dma_wait3A_436 : memref<1x1x128xi32, #tpu.memory_space<vmem>> -> memref<128xi32, #tpu.memory_space<vmem>>
        %dma_wait3A_438 = tpu.memref_slice %arg2[%select_n3A_152, %select_n3A_168] : memref<200x4096xi32, #tpu.memory_space<hbm>> -> memref<1x128xi32, #tpu.memory_space<hbm>>
        %dma_wait3A_439 = tpu.memref_squeeze %dma_wait3A_438 : memref<1x128xi32, #tpu.memory_space<hbm>> -> memref<128xi32, #tpu.memory_space<hbm>>
        tpu.wait_dma2 semaphore(%run_scoped3A_419 : memref<!tpu.dma_semaphore, #tpu.memory_space<semaphore_mem>>) src(%dma_wait3A_439 : memref<128xi32, #tpu.memory_space<hbm>>) dst(%dma_wait3A_437 : memref<128xi32, #tpu.memory_space<vmem>>)
        tpu.yield
      }) : () -> ()
      %dma_start3A = arith.constant 0 : i32
      %dma_start3A_170 = arith.constant 0 : i32
      %dma_start3A_171 = arith.constant 0 : i32
      %dma_start3A_172 = arith.constant 0 : i32
      %dma_start3A_173 = arith.constant 0 : i32
      %dma_start3A_174 = arith.constant 0 : i32
      %dma_start3A_175 = tpu.memref_slice %arg6[%dma_start3A_171, %dma_start3A_173, %dma_start3A_174] : memref<2x128x64xf32, #tpu.memory_space<vmem>> -> memref<1x128x64xf32, #tpu.memory_space<vmem>>
      %dma_start3A_176 = tpu.memref_squeeze %dma_start3A_175 : memref<1x128x64xf32, #tpu.memory_space<vmem>> -> memref<128x64xf32, #tpu.memory_space<vmem>>
      %dma_start3A_177 = arith.constant 0 : i32
      %dma_start3A_178 = tpu.memref_slice %arg5[%dma_start3A, %dma_start3A_170, %dma_start3A_177] : memref<2x1x128xi32, #tpu.memory_space<vmem>> -> memref<1x1x128xi32, #tpu.memory_space<vmem>>
      %dma_start3A_179 = tpu.memref_squeeze %dma_start3A_178 : memref<1x1x128xi32, #tpu.memory_space<vmem>> -> memref<128xi32, #tpu.memory_space<vmem>>
      %dma_start3A_180 = arith.constant 0 : i32
      %dma_start3A_181 = arith.constant 0 : i32
      %dma_start3A_182 = tpu.memref_slice %arg3[%dma_start3A_180, %dma_start3A_181] : memref<2000000x64xf32, #tpu.memory_space<hbm>> -> memref<2000000x64xf32, #tpu.memory_space<hbm>>
      %dma_start3A_183 = tpu.memref_slice %arg7[%dma_start3A_172] : memref<2x!tpu.dma_semaphore, #tpu.memory_space<semaphore_mem>> -> memref<1x!tpu.dma_semaphore, #tpu.memory_space<semaphore_mem>>
      %dma_start3A_184 = tpu.memref_squeeze %dma_start3A_183 : memref<1x!tpu.dma_semaphore, #tpu.memory_space<semaphore_mem>> -> memref<!tpu.dma_semaphore, #tpu.memory_space<semaphore_mem>>
      tpu.enqueue_indirect_dma source(%dma_start3A_182 : memref<2000000x64xf32, #tpu.memory_space<hbm>>) target(%dma_start3A_176 : memref<128x64xf32, #tpu.memory_space<vmem>>) offsets(%dma_start3A_179 : memref<128xi32, #tpu.memory_space<vmem>>) semaphore(%dma_start3A_184 : memref<!tpu.dma_semaphore, #tpu.memory_space<semaphore_mem>>)
      %mul3A_185 = arith.constant 2 : i32
      %mul3A_186 = arith.muli %scan3A_117, %mul3A_185 : i32
      %add3A_187 = arith.constant 1 : i32
      %add3A_188 = arith.addi %mul3A_186, %add3A_187 : i32
      %mul3A_189 = arith.constant 128 : i32
      %mul3A_190 = arith.muli %add3A_188, %mul3A_189 : i32
      %add3A_191 = arith.addi %mul3A_2, %mul3A_190 : i32
      %gt3A_192 = arith.constant 0 : i32
      %gt3A_193 = arith.cmpi sgt, %scan3A_117, %gt3A_192 : i32
      %convert_element_type3A_194 = arith.extui %gt3A_193 : i1 to i32
      %cond3A_195 = arith.constant 0 : i32
      %cond3A_196 = arith.cmpi ne, %convert_element_type3A_194, %cond3A_195 : i32
      scf.if %cond3A_196 {
        %sub3A_419 = arith.constant 256 : i32
        %sub3A_420 = arith.subi %add3A_191, %sub3A_419 : i32
        %jit3A_421 = arith.constant 4096 : i32
        %div3A_422 = arith.divsi %sub3A_420, %jit3A_421 : i32
        %sign3A_423 = arith.constant 0 : i32
        %sign3A_424 = arith.cmpi sgt, %sub3A_420, %sign3A_423 : i32
        %sign3A_425 = arith.extui %sign3A_424 : i1 to i32
        %sign3A_426 = arith.constant 0 : i32
        %sign3A_427 = arith.cmpi slt, %sub3A_420, %sign3A_426 : i32
        %sign3A_428 = arith.extui %sign3A_427 : i1 to i32
        %sign3A_429 = arith.subi %sign3A_425, %sign3A_428 : i32
        %sign3A_430 = arith.constant 0 : i32
        %sign3A_431 = arith.cmpi sgt, %jit3A_421, %sign3A_430 : i32
        %sign3A_432 = arith.extui %sign3A_431 : i1 to i32
        %sign3A_433 = arith.constant 0 : i32
        %sign3A_434 = arith.cmpi slt, %jit3A_421, %sign3A_433 : i32
        %sign3A_435 = arith.extui %sign3A_434 : i1 to i32
        %sign3A_436 = arith.subi %sign3A_432, %sign3A_435 : i32
        %ne3A_437 = arith.cmpi ne, %sign3A_429, %sign3A_436 : i32
        %rem3A_438 = arith.remsi %sub3A_420, %jit3A_421 : i32
        %ne3A_439 = arith.constant 0 : i32
        %ne3A_440 = arith.cmpi ne, %rem3A_438, %ne3A_439 : i32
        %and3A_441 = arith.andi %ne3A_437, %ne3A_440 : i1
        %sub3A_442 = arith.constant 1 : i32
        %sub3A_443 = arith.subi %div3A_422, %sub3A_442 : i32
        %select_n3A_444 = arith.select %and3A_441, %sub3A_443, %div3A_422 : i32
        %jit3A_445 = arith.constant 4096 : i32
        %eq3A_446 = arith.constant 0 : i32
        %eq3A_447 = arith.cmpi eq, %jit3A_445, %eq3A_446 : i32
        %jit3A_448 = arith.constant 1 : i32
        %select_n3A_449 = arith.select %eq3A_447, %jit3A_448, %jit3A_445 : i32
        %rem3A_450 = arith.remsi %sub3A_420, %select_n3A_449 : i32
        %ne3A_451 = arith.constant 0 : i32
        %ne3A_452 = arith.cmpi ne, %rem3A_450, %ne3A_451 : i32
        %lt3A_453 = arith.constant 0 : i32
        %lt3A_454 = arith.cmpi slt, %rem3A_450, %lt3A_453 : i32
        %lt3A_455 = arith.constant 0 : i32
        %lt3A_456 = arith.cmpi slt, %select_n3A_449, %lt3A_455 : i32
        %ne3A_457 = arith.xori %lt3A_454, %lt3A_456 : i1
        %and3A_458 = arith.andi %ne3A_457, %ne3A_452 : i1
        %add3A_459 = arith.addi %rem3A_450, %select_n3A_449 : i32
        %select_n3A_460 = arith.select %and3A_458, %add3A_459, %rem3A_450 : i32
        %dma_wait3A_461 = arith.constant 1 : i32
        %dma_wait3A_462 = arith.constant 1 : i32
        %dma_wait3A_463 = arith.constant 0 : i32
        %dma_wait3A_464 = arith.constant 0 : i32
        %dma_wait3A_465 = tpu.memref_slice %arg6[%dma_wait3A_461, %dma_wait3A_463, %dma_wait3A_464] : memref<2x128x64xf32, #tpu.memory_space<vmem>> -> memref<1x128x64xf32, #tpu.memory_space<vmem>>
        %dma_wait3A_466 = tpu.memref_squeeze %dma_wait3A_465 : memref<1x128x64xf32, #tpu.memory_space<vmem>> -> memref<128x64xf32, #tpu.memory_space<vmem>>
        %dma_wait3A_467 = arith.constant 0 : i32
        %dma_wait3A_468 = tpu.memref_slice %arg4[%select_n3A_444, %select_n3A_460, %dma_wait3A_467] : memref<200x4096x128xf32, #tpu.memory_space<hbm>> -> memref<1x128x64xf32, #tpu.memory_space<hbm>>
        %dma_wait3A_469 = tpu.memref_squeeze %dma_wait3A_468 : memref<1x128x64xf32, #tpu.memory_space<hbm>> -> memref<128x64xf32, #tpu.memory_space<hbm>>
        %dma_wait3A_470 = tpu.memref_slice %arg8[%dma_wait3A_462] : memref<2x!tpu.dma_semaphore, #tpu.memory_space<semaphore_mem>> -> memref<1x!tpu.dma_semaphore, #tpu.memory_space<semaphore_mem>>
        %dma_wait3A_471 = tpu.memref_squeeze %dma_wait3A_470 : memref<1x!tpu.dma_semaphore, #tpu.memory_space<semaphore_mem>> -> memref<!tpu.dma_semaphore, #tpu.memory_space<semaphore_mem>>
        %dma_wait3A_472 = arith.constant 0 : i32
        %dma_wait3A_473 = tpu.memref_slice %arg4[%select_n3A_444, %select_n3A_460, %dma_wait3A_472] : memref<200x4096x128xf32, #tpu.memory_space<hbm>> -> memref<1x128x64xf32, #tpu.memory_space<hbm>>
        %dma_wait3A_474 = tpu.memref_squeeze %dma_wait3A_473 : memref<1x128x64xf32, #tpu.memory_space<hbm>> -> memref<128x64xf32, #tpu.memory_space<hbm>>
        %dma_wait3A_475 = arith.constant 0 : i32
        %dma_wait3A_476 = arith.constant 0 : i32
        %dma_wait3A_477 = tpu.memref_slice %arg6[%dma_wait3A_461, %dma_wait3A_475, %dma_wait3A_476] : memref<2x128x64xf32, #tpu.memory_space<vmem>> -> memref<1x128x64xf32, #tpu.memory_space<vmem>>
        %dma_wait3A_478 = tpu.memref_squeeze %dma_wait3A_477 : memref<1x128x64xf32, #tpu.memory_space<vmem>> -> memref<128x64xf32, #tpu.memory_space<vmem>>
        tpu.wait_dma2 semaphore(%dma_wait3A_471 : memref<!tpu.dma_semaphore, #tpu.memory_space<semaphore_mem>>) src(%dma_wait3A_478 : memref<128x64xf32, #tpu.memory_space<vmem>>) dst(%dma_wait3A_474 : memref<128x64xf32, #tpu.memory_space<hbm>>)
      } else {
      }
      %add3A_197 = arith.constant 0 : i32
      %add3A_198 = arith.addi %add3A_191, %add3A_197 : i32
      %jit3A_199 = arith.constant 4096 : i32
      %div3A_200 = arith.divsi %add3A_198, %jit3A_199 : i32
      %sign3A_201 = arith.constant 0 : i32
      %sign3A_202 = arith.cmpi sgt, %add3A_198, %sign3A_201 : i32
      %sign3A_203 = arith.extui %sign3A_202 : i1 to i32
      %sign3A_204 = arith.constant 0 : i32
      %sign3A_205 = arith.cmpi slt, %add3A_198, %sign3A_204 : i32
      %sign3A_206 = arith.extui %sign3A_205 : i1 to i32
      %sign3A_207 = arith.subi %sign3A_203, %sign3A_206 : i32
      %sign3A_208 = arith.constant 0 : i32
      %sign3A_209 = arith.cmpi sgt, %jit3A_199, %sign3A_208 : i32
      %sign3A_210 = arith.extui %sign3A_209 : i1 to i32
      %sign3A_211 = arith.constant 0 : i32
      %sign3A_212 = arith.cmpi slt, %jit3A_199, %sign3A_211 : i32
      %sign3A_213 = arith.extui %sign3A_212 : i1 to i32
      %sign3A_214 = arith.subi %sign3A_210, %sign3A_213 : i32
      %ne3A_215 = arith.cmpi ne, %sign3A_207, %sign3A_214 : i32
      %rem3A_216 = arith.remsi %add3A_198, %jit3A_199 : i32
      %ne3A_217 = arith.constant 0 : i32
      %ne3A_218 = arith.cmpi ne, %rem3A_216, %ne3A_217 : i32
      %and3A_219 = arith.andi %ne3A_215, %ne3A_218 : i1
      %sub3A_220 = arith.constant 1 : i32
      %sub3A_221 = arith.subi %div3A_200, %sub3A_220 : i32
      %select_n3A_222 = arith.select %and3A_219, %sub3A_221, %div3A_200 : i32
      %jit3A_223 = arith.constant 4096 : i32
      %eq3A_224 = arith.constant 0 : i32
      %eq3A_225 = arith.cmpi eq, %jit3A_223, %eq3A_224 : i32
      %jit3A_226 = arith.constant 1 : i32
      %select_n3A_227 = arith.select %eq3A_225, %jit3A_226, %jit3A_223 : i32
      %rem3A_228 = arith.remsi %add3A_198, %select_n3A_227 : i32
      %ne3A_229 = arith.constant 0 : i32
      %ne3A_230 = arith.cmpi ne, %rem3A_228, %ne3A_229 : i32
      %lt3A_231 = arith.constant 0 : i32
      %lt3A_232 = arith.cmpi slt, %rem3A_228, %lt3A_231 : i32
      %lt3A_233 = arith.constant 0 : i32
      %lt3A_234 = arith.cmpi slt, %select_n3A_227, %lt3A_233 : i32
      %ne3A_235 = arith.xori %lt3A_232, %lt3A_234 : i1
      %and3A_236 = arith.andi %ne3A_235, %ne3A_230 : i1
      %add3A_237 = arith.addi %rem3A_228, %select_n3A_227 : i32
      %select_n3A_238 = arith.select %and3A_236, %add3A_237, %rem3A_228 : i32
      %run_scoped3A_239 = arith.constant 1 : i32
      %run_scoped3A_240 = arith.constant 0 : i32
      "tpu.region"() ({
        %run_scoped3A_419 = tpu.sem_alloc : memref<!tpu.dma_semaphore, #tpu.memory_space<semaphore_mem>>
        %dma_start3A_420 = arith.constant 0 : i32
        %dma_start3A_421 = tpu.memref_slice %arg5[%run_scoped3A_239, %run_scoped3A_240, %dma_start3A_420] : memref<2x1x128xi32, #tpu.memory_space<vmem>> -> memref<1x1x128xi32, #tpu.memory_space<vmem>>
        %dma_start3A_422 = tpu.memref_squeeze %dma_start3A_421 : memref<1x1x128xi32, #tpu.memory_space<vmem>> -> memref<128xi32, #tpu.memory_space<vmem>>
        %dma_start3A_423 = tpu.memref_slice %arg2[%select_n3A_222, %select_n3A_238] : memref<200x4096xi32, #tpu.memory_space<hbm>> -> memref<1x128xi32, #tpu.memory_space<hbm>>
        %dma_start3A_424 = tpu.memref_squeeze %dma_start3A_423 : memref<1x128xi32, #tpu.memory_space<hbm>> -> memref<128xi32, #tpu.memory_space<hbm>>
        %dma_start3A_425 = arith.constant 0 : i32
        %dma_start3A_426 = tpu.memref_slice %arg5[%run_scoped3A_239, %run_scoped3A_240, %dma_start3A_425] : memref<2x1x128xi32, #tpu.memory_space<vmem>> -> memref<1x1x128xi32, #tpu.memory_space<vmem>>
        %dma_start3A_427 = tpu.memref_squeeze %dma_start3A_426 : memref<1x1x128xi32, #tpu.memory_space<vmem>> -> memref<128xi32, #tpu.memory_space<vmem>>
        %dma_start3A_428 = tpu.memref_slice %arg2[%select_n3A_222, %select_n3A_238] : memref<200x4096xi32, #tpu.memory_space<hbm>> -> memref<1x128xi32, #tpu.memory_space<hbm>>
        %dma_start3A_429 = tpu.memref_squeeze %dma_start3A_428 : memref<1x128xi32, #tpu.memory_space<hbm>> -> memref<128xi32, #tpu.memory_space<hbm>>
        tpu.enqueue_dma source(%dma_start3A_429 : memref<128xi32, #tpu.memory_space<hbm>>) target(%dma_start3A_427 : memref<128xi32, #tpu.memory_space<vmem>>) target_semaphore(%run_scoped3A_419 : memref<!tpu.dma_semaphore, #tpu.memory_space<semaphore_mem>>)
        %dma_wait3A_430 = arith.constant 0 : i32
        %dma_wait3A_431 = tpu.memref_slice %arg5[%run_scoped3A_239, %run_scoped3A_240, %dma_wait3A_430] : memref<2x1x128xi32, #tpu.memory_space<vmem>> -> memref<1x1x128xi32, #tpu.memory_space<vmem>>
        %dma_wait3A_432 = tpu.memref_squeeze %dma_wait3A_431 : memref<1x1x128xi32, #tpu.memory_space<vmem>> -> memref<128xi32, #tpu.memory_space<vmem>>
        %dma_wait3A_433 = tpu.memref_slice %arg2[%select_n3A_222, %select_n3A_238] : memref<200x4096xi32, #tpu.memory_space<hbm>> -> memref<1x128xi32, #tpu.memory_space<hbm>>
        %dma_wait3A_434 = tpu.memref_squeeze %dma_wait3A_433 : memref<1x128xi32, #tpu.memory_space<hbm>> -> memref<128xi32, #tpu.memory_space<hbm>>
        %dma_wait3A_435 = arith.constant 0 : i32
        %dma_wait3A_436 = tpu.memref_slice %arg5[%run_scoped3A_239, %run_scoped3A_240, %dma_wait3A_435] : memref<2x1x128xi32, #tpu.memory_space<vmem>> -> memref<1x1x128xi32, #tpu.memory_space<vmem>>
        %dma_wait3A_437 = tpu.memref_squeeze %dma_wait3A_436 : memref<1x1x128xi32, #tpu.memory_space<vmem>> -> memref<128xi32, #tpu.memory_space<vmem>>
        %dma_wait3A_438 = tpu.memref_slice %arg2[%select_n3A_222, %select_n3A_238] : memref<200x4096xi32, #tpu.memory_space<hbm>> -> memref<1x128xi32, #tpu.memory_space<hbm>>
        %dma_wait3A_439 = tpu.memref_squeeze %dma_wait3A_438 : memref<1x128xi32, #tpu.memory_space<hbm>> -> memref<128xi32, #tpu.memory_space<hbm>>
        tpu.wait_dma2 semaphore(%run_scoped3A_419 : memref<!tpu.dma_semaphore, #tpu.memory_space<semaphore_mem>>) src(%dma_wait3A_439 : memref<128xi32, #tpu.memory_space<hbm>>) dst(%dma_wait3A_437 : memref<128xi32, #tpu.memory_space<vmem>>)
        tpu.yield
      }) : () -> ()
      %dma_start3A_241 = arith.constant 1 : i32
      %dma_start3A_242 = arith.constant 0 : i32
      %dma_start3A_243 = arith.constant 1 : i32
      %dma_start3A_244 = arith.constant 1 : i32
      %dma_start3A_245 = arith.constant 0 : i32
      %dma_start3A_246 = arith.constant 0 : i32
      %dma_start3A_247 = tpu.memref_slice %arg6[%dma_start3A_243, %dma_start3A_245, %dma_start3A_246] : memref<2x128x64xf32, #tpu.memory_space<vmem>> -> memref<1x128x64xf32, #tpu.memory_space<vmem>>
      %dma_start3A_248 = tpu.memref_squeeze %dma_start3A_247 : memref<1x128x64xf32, #tpu.memory_space<vmem>> -> memref<128x64xf32, #tpu.memory_space<vmem>>
      %dma_start3A_249 = arith.constant 0 : i32
      %dma_start3A_250 = tpu.memref_slice %arg5[%dma_start3A_241, %dma_start3A_242, %dma_start3A_249] : memref<2x1x128xi32, #tpu.memory_space<vmem>> -> memref<1x1x128xi32, #tpu.memory_space<vmem>>
      %dma_start3A_251 = tpu.memref_squeeze %dma_start3A_250 : memref<1x1x128xi32, #tpu.memory_space<vmem>> -> memref<128xi32, #tpu.memory_space<vmem>>
      %dma_start3A_252 = arith.constant 0 : i32
      %dma_start3A_253 = arith.constant 0 : i32
      %dma_start3A_254 = tpu.memref_slice %arg3[%dma_start3A_252, %dma_start3A_253] : memref<2000000x64xf32, #tpu.memory_space<hbm>> -> memref<2000000x64xf32, #tpu.memory_space<hbm>>
      %dma_start3A_255 = tpu.memref_slice %arg7[%dma_start3A_244] : memref<2x!tpu.dma_semaphore, #tpu.memory_space<semaphore_mem>> -> memref<1x!tpu.dma_semaphore, #tpu.memory_space<semaphore_mem>>
      %dma_start3A_256 = tpu.memref_squeeze %dma_start3A_255 : memref<1x!tpu.dma_semaphore, #tpu.memory_space<semaphore_mem>> -> memref<!tpu.dma_semaphore, #tpu.memory_space<semaphore_mem>>
      tpu.enqueue_indirect_dma source(%dma_start3A_254 : memref<2000000x64xf32, #tpu.memory_space<hbm>>) target(%dma_start3A_248 : memref<128x64xf32, #tpu.memory_space<vmem>>) offsets(%dma_start3A_251 : memref<128xi32, #tpu.memory_space<vmem>>) semaphore(%dma_start3A_256 : memref<!tpu.dma_semaphore, #tpu.memory_space<semaphore_mem>>)
      %mul3A_257 = arith.constant 2 : i32
      %mul3A_258 = arith.muli %scan3A_117, %mul3A_257 : i32
      %add3A_259 = arith.constant 0 : i32
      %add3A_260 = arith.addi %mul3A_258, %add3A_259 : i32
      %mul3A_261 = arith.constant 128 : i32
      %mul3A_262 = arith.muli %add3A_260, %mul3A_261 : i32
      %add3A_263 = arith.addi %mul3A_2, %mul3A_262 : i32
      %dma_wait3A_264 = arith.constant 0 : i32
      %dma_wait3A_265 = arith.constant 0 : i32
      %dma_wait3A_266 = arith.constant 0 : i32
      %dma_wait3A_267 = arith.constant 0 : i32
      %dma_wait3A_268 = arith.constant 0 : i32
      %dma_wait3A_269 = arith.constant 0 : i32
      %dma_wait3A_270 = tpu.memref_slice %arg6[%dma_wait3A_266, %dma_wait3A_268, %dma_wait3A_269] : memref<2x128x64xf32, #tpu.memory_space<vmem>> -> memref<1x128x64xf32, #tpu.memory_space<vmem>>
      %dma_wait3A_271 = tpu.memref_squeeze %dma_wait3A_270 : memref<1x128x64xf32, #tpu.memory_space<vmem>> -> memref<128x64xf32, #tpu.memory_space<vmem>>
      %dma_wait3A_272 = arith.constant 0 : i32
      %dma_wait3A_273 = tpu.memref_slice %arg5[%dma_wait3A_264, %dma_wait3A_265, %dma_wait3A_272] : memref<2x1x128xi32, #tpu.memory_space<vmem>> -> memref<1x1x128xi32, #tpu.memory_space<vmem>>
      %dma_wait3A_274 = tpu.memref_squeeze %dma_wait3A_273 : memref<1x1x128xi32, #tpu.memory_space<vmem>> -> memref<128xi32, #tpu.memory_space<vmem>>
      %dma_wait3A_275 = arith.constant 0 : i32
      %dma_wait3A_276 = arith.constant 0 : i32
      %dma_wait3A_277 = tpu.memref_slice %arg3[%dma_wait3A_275, %dma_wait3A_276] : memref<2000000x64xf32, #tpu.memory_space<hbm>> -> memref<2000000x64xf32, #tpu.memory_space<hbm>>
      %dma_wait3A_278 = tpu.memref_slice %arg7[%dma_wait3A_267] : memref<2x!tpu.dma_semaphore, #tpu.memory_space<semaphore_mem>> -> memref<1x!tpu.dma_semaphore, #tpu.memory_space<semaphore_mem>>
      %dma_wait3A_279 = tpu.memref_squeeze %dma_wait3A_278 : memref<1x!tpu.dma_semaphore, #tpu.memory_space<semaphore_mem>> -> memref<!tpu.dma_semaphore, #tpu.memory_space<semaphore_mem>>
      tpu.wait_indirect_dma semaphore(%dma_wait3A_279 : memref<!tpu.dma_semaphore, #tpu.memory_space<semaphore_mem>>) src(%dma_wait3A_277 : memref<2000000x64xf32, #tpu.memory_space<hbm>>) dst(%dma_wait3A_271 : memref<128x64xf32, #tpu.memory_space<vmem>>)
      %jit3A_280 = arith.constant 4096 : i32
      %div3A_281 = arith.divsi %add3A_263, %jit3A_280 : i32
      %sign3A_282 = arith.constant 0 : i32
      %sign3A_283 = arith.cmpi sgt, %add3A_263, %sign3A_282 : i32
      %sign3A_284 = arith.extui %sign3A_283 : i1 to i32
      %sign3A_285 = arith.constant 0 : i32
      %sign3A_286 = arith.cmpi slt, %add3A_263, %sign3A_285 : i32
      %sign3A_287 = arith.extui %sign3A_286 : i1 to i32
      %sign3A_288 = arith.subi %sign3A_284, %sign3A_287 : i32
      %sign3A_289 = arith.constant 0 : i32
      %sign3A_290 = arith.cmpi sgt, %jit3A_280, %sign3A_289 : i32
      %sign3A_291 = arith.extui %sign3A_290 : i1 to i32
      %sign3A_292 = arith.constant 0 : i32
      %sign3A_293 = arith.cmpi slt, %jit3A_280, %sign3A_292 : i32
      %sign3A_294 = arith.extui %sign3A_293 : i1 to i32
      %sign3A_295 = arith.subi %sign3A_291, %sign3A_294 : i32
      %ne3A_296 = arith.cmpi ne, %sign3A_288, %sign3A_295 : i32
      %rem3A_297 = arith.remsi %add3A_263, %jit3A_280 : i32
      %ne3A_298 = arith.constant 0 : i32
      %ne3A_299 = arith.cmpi ne, %rem3A_297, %ne3A_298 : i32
      %and3A_300 = arith.andi %ne3A_296, %ne3A_299 : i1
      %sub3A_301 = arith.constant 1 : i32
      %sub3A_302 = arith.subi %div3A_281, %sub3A_301 : i32
      %select_n3A_303 = arith.select %and3A_300, %sub3A_302, %div3A_281 : i32
      %jit3A_304 = arith.constant 4096 : i32
      %eq3A_305 = arith.constant 0 : i32
      %eq3A_306 = arith.cmpi eq, %jit3A_304, %eq3A_305 : i32
      %jit3A_307 = arith.constant 1 : i32
      %select_n3A_308 = arith.select %eq3A_306, %jit3A_307, %jit3A_304 : i32
      %rem3A_309 = arith.remsi %add3A_263, %select_n3A_308 : i32
      %ne3A_310 = arith.constant 0 : i32
      %ne3A_311 = arith.cmpi ne, %rem3A_309, %ne3A_310 : i32
      %lt3A_312 = arith.constant 0 : i32
      %lt3A_313 = arith.cmpi slt, %rem3A_309, %lt3A_312 : i32
      %lt3A_314 = arith.constant 0 : i32
      %lt3A_315 = arith.cmpi slt, %select_n3A_308, %lt3A_314 : i32
      %ne3A_316 = arith.xori %lt3A_313, %lt3A_315 : i1
      %and3A_317 = arith.andi %ne3A_316, %ne3A_311 : i1
      %add3A_318 = arith.addi %rem3A_309, %select_n3A_308 : i32
      %select_n3A_319 = arith.select %and3A_317, %add3A_318, %rem3A_309 : i32
      %dma_start3A_320 = arith.constant 0 : i32
      %dma_start3A_321 = arith.constant 0 : i32
      %dma_start3A_322 = arith.constant 0 : i32
      %dma_start3A_323 = arith.constant 0 : i32
      %dma_start3A_324 = tpu.memref_slice %arg6[%dma_start3A_320, %dma_start3A_322, %dma_start3A_323] : memref<2x128x64xf32, #tpu.memory_space<vmem>> -> memref<1x128x64xf32, #tpu.memory_space<vmem>>
      %dma_start3A_325 = tpu.memref_squeeze %dma_start3A_324 : memref<1x128x64xf32, #tpu.memory_space<vmem>> -> memref<128x64xf32, #tpu.memory_space<vmem>>
      %dma_start3A_326 = arith.constant 0 : i32
      %dma_start3A_327 = tpu.memref_slice %arg4[%select_n3A_303, %select_n3A_319, %dma_start3A_326] : memref<200x4096x128xf32, #tpu.memory_space<hbm>> -> memref<1x128x64xf32, #tpu.memory_space<hbm>>
      %dma_start3A_328 = tpu.memref_squeeze %dma_start3A_327 : memref<1x128x64xf32, #tpu.memory_space<hbm>> -> memref<128x64xf32, #tpu.memory_space<hbm>>
      %dma_start3A_329 = tpu.memref_slice %arg8[%dma_start3A_321] : memref<2x!tpu.dma_semaphore, #tpu.memory_space<semaphore_mem>> -> memref<1x!tpu.dma_semaphore, #tpu.memory_space<semaphore_mem>>
      %dma_start3A_330 = tpu.memref_squeeze %dma_start3A_329 : memref<1x!tpu.dma_semaphore, #tpu.memory_space<semaphore_mem>> -> memref<!tpu.dma_semaphore, #tpu.memory_space<semaphore_mem>>
      %dma_start3A_331 = arith.constant 0 : i32
      %dma_start3A_332 = tpu.memref_slice %arg4[%select_n3A_303, %select_n3A_319, %dma_start3A_331] : memref<200x4096x128xf32, #tpu.memory_space<hbm>> -> memref<1x128x64xf32, #tpu.memory_space<hbm>>
      %dma_start3A_333 = tpu.memref_squeeze %dma_start3A_332 : memref<1x128x64xf32, #tpu.memory_space<hbm>> -> memref<128x64xf32, #tpu.memory_space<hbm>>
      %dma_start3A_334 = arith.constant 0 : i32
      %dma_start3A_335 = arith.constant 0 : i32
      %dma_start3A_336 = tpu.memref_slice %arg6[%dma_start3A_320, %dma_start3A_334, %dma_start3A_335] : memref<2x128x64xf32, #tpu.memory_space<vmem>> -> memref<1x128x64xf32, #tpu.memory_space<vmem>>
      %dma_start3A_337 = tpu.memref_squeeze %dma_start3A_336 : memref<1x128x64xf32, #tpu.memory_space<vmem>> -> memref<128x64xf32, #tpu.memory_space<vmem>>
      tpu.enqueue_dma source(%dma_start3A_337 : memref<128x64xf32, #tpu.memory_space<vmem>>) target(%dma_start3A_333 : memref<128x64xf32, #tpu.memory_space<hbm>>) target_semaphore(%dma_start3A_330 : memref<!tpu.dma_semaphore, #tpu.memory_space<semaphore_mem>>)
      %mul3A_338 = arith.constant 2 : i32
      %mul3A_339 = arith.muli %scan3A_117, %mul3A_338 : i32
      %add3A_340 = arith.constant 1 : i32
      %add3A_341 = arith.addi %mul3A_339, %add3A_340 : i32
      %mul3A_342 = arith.constant 128 : i32
      %mul3A_343 = arith.muli %add3A_341, %mul3A_342 : i32
      %add3A_344 = arith.addi %mul3A_2, %mul3A_343 : i32
      %dma_wait3A_345 = arith.constant 1 : i32
      %dma_wait3A_346 = arith.constant 0 : i32
      %dma_wait3A_347 = arith.constant 1 : i32
      %dma_wait3A_348 = arith.constant 1 : i32
      %dma_wait3A_349 = arith.constant 0 : i32
      %dma_wait3A_350 = arith.constant 0 : i32
      %dma_wait3A_351 = tpu.memref_slice %arg6[%dma_wait3A_347, %dma_wait3A_349, %dma_wait3A_350] : memref<2x128x64xf32, #tpu.memory_space<vmem>> -> memref<1x128x64xf32, #tpu.memory_space<vmem>>
      %dma_wait3A_352 = tpu.memref_squeeze %dma_wait3A_351 : memref<1x128x64xf32, #tpu.memory_space<vmem>> -> memref<128x64xf32, #tpu.memory_space<vmem>>
      %dma_wait3A_353 = arith.constant 0 : i32
      %dma_wait3A_354 = tpu.memref_slice %arg5[%dma_wait3A_345, %dma_wait3A_346, %dma_wait3A_353] : memref<2x1x128xi32, #tpu.memory_space<vmem>> -> memref<1x1x128xi32, #tpu.memory_space<vmem>>
      %dma_wait3A_355 = tpu.memref_squeeze %dma_wait3A_354 : memref<1x1x128xi32, #tpu.memory_space<vmem>> -> memref<128xi32, #tpu.memory_space<vmem>>
      %dma_wait3A_356 = arith.constant 0 : i32
      %dma_wait3A_357 = arith.constant 0 : i32
      %dma_wait3A_358 = tpu.memref_slice %arg3[%dma_wait3A_356, %dma_wait3A_357] : memref<2000000x64xf32, #tpu.memory_space<hbm>> -> memref<2000000x64xf32, #tpu.memory_space<hbm>>
      %dma_wait3A_359 = tpu.memref_slice %arg7[%dma_wait3A_348] : memref<2x!tpu.dma_semaphore, #tpu.memory_space<semaphore_mem>> -> memref<1x!tpu.dma_semaphore, #tpu.memory_space<semaphore_mem>>
      %dma_wait3A_360 = tpu.memref_squeeze %dma_wait3A_359 : memref<1x!tpu.dma_semaphore, #tpu.memory_space<semaphore_mem>> -> memref<!tpu.dma_semaphore, #tpu.memory_space<semaphore_mem>>
      tpu.wait_indirect_dma semaphore(%dma_wait3A_360 : memref<!tpu.dma_semaphore, #tpu.memory_space<semaphore_mem>>) src(%dma_wait3A_358 : memref<2000000x64xf32, #tpu.memory_space<hbm>>) dst(%dma_wait3A_352 : memref<128x64xf32, #tpu.memory_space<vmem>>)
      %jit3A_361 = arith.constant 4096 : i32
      %div3A_362 = arith.divsi %add3A_344, %jit3A_361 : i32
      %sign3A_363 = arith.constant 0 : i32
      %sign3A_364 = arith.cmpi sgt, %add3A_344, %sign3A_363 : i32
      %sign3A_365 = arith.extui %sign3A_364 : i1 to i32
      %sign3A_366 = arith.constant 0 : i32
      %sign3A_367 = arith.cmpi slt, %add3A_344, %sign3A_366 : i32
      %sign3A_368 = arith.extui %sign3A_367 : i1 to i32
      %sign3A_369 = arith.subi %sign3A_365, %sign3A_368 : i32
      %sign3A_370 = arith.constant 0 : i32
      %sign3A_371 = arith.cmpi sgt, %jit3A_361, %sign3A_370 : i32
      %sign3A_372 = arith.extui %sign3A_371 : i1 to i32
      %sign3A_373 = arith.constant 0 : i32
      %sign3A_374 = arith.cmpi slt, %jit3A_361, %sign3A_373 : i32
      %sign3A_375 = arith.extui %sign3A_374 : i1 to i32
      %sign3A_376 = arith.subi %sign3A_372, %sign3A_375 : i32
      %ne3A_377 = arith.cmpi ne, %sign3A_369, %sign3A_376 : i32
      %rem3A_378 = arith.remsi %add3A_344, %jit3A_361 : i32
      %ne3A_379 = arith.constant 0 : i32
      %ne3A_380 = arith.cmpi ne, %rem3A_378, %ne3A_379 : i32
      %and3A_381 = arith.andi %ne3A_377, %ne3A_380 : i1
      %sub3A_382 = arith.constant 1 : i32
      %sub3A_383 = arith.subi %div3A_362, %sub3A_382 : i32
      %select_n3A_384 = arith.select %and3A_381, %sub3A_383, %div3A_362 : i32
      %jit3A_385 = arith.constant 4096 : i32
      %eq3A_386 = arith.constant 0 : i32
      %eq3A_387 = arith.cmpi eq, %jit3A_385, %eq3A_386 : i32
      %jit3A_388 = arith.constant 1 : i32
      %select_n3A_389 = arith.select %eq3A_387, %jit3A_388, %jit3A_385 : i32
      %rem3A_390 = arith.remsi %add3A_344, %select_n3A_389 : i32
      %ne3A_391 = arith.constant 0 : i32
      %ne3A_392 = arith.cmpi ne, %rem3A_390, %ne3A_391 : i32
      %lt3A_393 = arith.constant 0 : i32
      %lt3A_394 = arith.cmpi slt, %rem3A_390, %lt3A_393 : i32
      %lt3A_395 = arith.constant 0 : i32
      %lt3A_396 = arith.cmpi slt, %select_n3A_389, %lt3A_395 : i32
      %ne3A_397 = arith.xori %lt3A_394, %lt3A_396 : i1
      %and3A_398 = arith.andi %ne3A_397, %ne3A_392 : i1
      %add3A_399 = arith.addi %rem3A_390, %select_n3A_389 : i32
      %select_n3A_400 = arith.select %and3A_398, %add3A_399, %rem3A_390 : i32
      %dma_start3A_401 = arith.constant 1 : i32
      %dma_start3A_402 = arith.constant 1 : i32
      %dma_start3A_403 = arith.constant 0 : i32
      %dma_start3A_404 = arith.constant 0 : i32
      %dma_start3A_405 = tpu.memref_slice %arg6[%dma_start3A_401, %dma_start3A_403, %dma_start3A_404] : memref<2x128x64xf32, #tpu.memory_space<vmem>> -> memref<1x128x64xf32, #tpu.memory_space<vmem>>
      %dma_start3A_406 = tpu.memref_squeeze %dma_start3A_405 : memref<1x128x64xf32, #tpu.memory_space<vmem>> -> memref<128x64xf32, #tpu.memory_space<vmem>>
      %dma_start3A_407 = arith.constant 0 : i32
      %dma_start3A_408 = tpu.memref_slice %arg4[%select_n3A_384, %select_n3A_400, %dma_start3A_407] : memref<200x4096x128xf32, #tpu.memory_space<hbm>> -> memref<1x128x64xf32, #tpu.memory_space<hbm>>
      %dma_start3A_409 = tpu.memref_squeeze %dma_start3A_408 : memref<1x128x64xf32, #tpu.memory_space<hbm>> -> memref<128x64xf32, #tpu.memory_space<hbm>>
      %dma_start3A_410 = tpu.memref_slice %arg8[%dma_start3A_402] : memref<2x!tpu.dma_semaphore, #tpu.memory_space<semaphore_mem>> -> memref<1x!tpu.dma_semaphore, #tpu.memory_space<semaphore_mem>>
      %dma_start3A_411 = tpu.memref_squeeze %dma_start3A_410 : memref<1x!tpu.dma_semaphore, #tpu.memory_space<semaphore_mem>> -> memref<!tpu.dma_semaphore, #tpu.memory_space<semaphore_mem>>
      %dma_start3A_412 = arith.constant 0 : i32
      %dma_start3A_413 = tpu.memref_slice %arg4[%select_n3A_384, %select_n3A_400, %dma_start3A_412] : memref<200x4096x128xf32, #tpu.memory_space<hbm>> -> memref<1x128x64xf32, #tpu.memory_space<hbm>>
      %dma_start3A_414 = tpu.memref_squeeze %dma_start3A_413 : memref<1x128x64xf32, #tpu.memory_space<hbm>> -> memref<128x64xf32, #tpu.memory_space<hbm>>
      %dma_start3A_415 = arith.constant 0 : i32
      %dma_start3A_416 = arith.constant 0 : i32
      %dma_start3A_417 = tpu.memref_slice %arg6[%dma_start3A_401, %dma_start3A_415, %dma_start3A_416] : memref<2x128x64xf32, #tpu.memory_space<vmem>> -> memref<1x128x64xf32, #tpu.memory_space<vmem>>
      %dma_start3A_418 = tpu.memref_squeeze %dma_start3A_417 : memref<1x128x64xf32, #tpu.memory_space<vmem>> -> memref<128x64xf32, #tpu.memory_space<vmem>>
      tpu.enqueue_dma source(%dma_start3A_418 : memref<128x64xf32, #tpu.memory_space<vmem>>) target(%dma_start3A_414 : memref<128x64xf32, #tpu.memory_space<hbm>>) target_semaphore(%dma_start3A_411 : memref<!tpu.dma_semaphore, #tpu.memory_space<semaphore_mem>>)
    }
    %scan3A_7 = arith.constant 100 : i32
    %add3A_8 = arith.constant 25344 : i32
    %add3A_9 = arith.addi %mul3A_2, %add3A_8 : i32
    %jit3A = arith.constant 4096 : i32
    %div3A = arith.divsi %add3A_9, %jit3A : i32
    %sign3A = arith.constant 0 : i32
    %sign3A_10 = arith.cmpi sgt, %add3A_9, %sign3A : i32
    %sign3A_11 = arith.extui %sign3A_10 : i1 to i32
    %sign3A_12 = arith.constant 0 : i32
    %sign3A_13 = arith.cmpi slt, %add3A_9, %sign3A_12 : i32
    %sign3A_14 = arith.extui %sign3A_13 : i1 to i32
    %sign3A_15 = arith.subi %sign3A_11, %sign3A_14 : i32
    %sign3A_16 = arith.constant 0 : i32
    %sign3A_17 = arith.cmpi sgt, %jit3A, %sign3A_16 : i32
    %sign3A_18 = arith.extui %sign3A_17 : i1 to i32
    %sign3A_19 = arith.constant 0 : i32
    %sign3A_20 = arith.cmpi slt, %jit3A, %sign3A_19 : i32
    %sign3A_21 = arith.extui %sign3A_20 : i1 to i32
    %sign3A_22 = arith.subi %sign3A_18, %sign3A_21 : i32
    %ne3A = arith.cmpi ne, %sign3A_15, %sign3A_22 : i32
    %rem3A = arith.remsi %add3A_9, %jit3A : i32
    %ne3A_23 = arith.constant 0 : i32
    %ne3A_24 = arith.cmpi ne, %rem3A, %ne3A_23 : i32
    %and3A = arith.andi %ne3A, %ne3A_24 : i1
    %sub3A = arith.constant 1 : i32
    %sub3A_25 = arith.subi %div3A, %sub3A : i32
    %select_n3A = arith.select %and3A, %sub3A_25, %div3A : i32
    %jit3A_26 = arith.constant 4096 : i32
    %eq3A = arith.constant 0 : i32
    %eq3A_27 = arith.cmpi eq, %jit3A_26, %eq3A : i32
    %jit3A_28 = arith.constant 1 : i32
    %select_n3A_29 = arith.select %eq3A_27, %jit3A_28, %jit3A_26 : i32
    %rem3A_30 = arith.remsi %add3A_9, %select_n3A_29 : i32
    %ne3A_31 = arith.constant 0 : i32
    %ne3A_32 = arith.cmpi ne, %rem3A_30, %ne3A_31 : i32
    %lt3A = arith.constant 0 : i32
    %lt3A_33 = arith.cmpi slt, %rem3A_30, %lt3A : i32
    %lt3A_34 = arith.constant 0 : i32
    %lt3A_35 = arith.cmpi slt, %select_n3A_29, %lt3A_34 : i32
    %ne3A_36 = arith.xori %lt3A_33, %lt3A_35 : i1
    %and3A_37 = arith.andi %ne3A_36, %ne3A_32 : i1
    %add3A_38 = arith.addi %rem3A_30, %select_n3A_29 : i32
    %select_n3A_39 = arith.select %and3A_37, %add3A_38, %rem3A_30 : i32
    %dma_wait3A = arith.constant 0 : i32
    %dma_wait3A_40 = arith.constant 0 : i32
    %dma_wait3A_41 = arith.constant 0 : i32
    %dma_wait3A_42 = arith.constant 0 : i32
    %dma_wait3A_43 = tpu.memref_slice %arg6[%dma_wait3A, %dma_wait3A_41, %dma_wait3A_42] : memref<2x128x64xf32, #tpu.memory_space<vmem>> -> memref<1x128x64xf32, #tpu.memory_space<vmem>>
    %dma_wait3A_44 = tpu.memref_squeeze %dma_wait3A_43 : memref<1x128x64xf32, #tpu.memory_space<vmem>> -> memref<128x64xf32, #tpu.memory_space<vmem>>
    %dma_wait3A_45 = arith.constant 0 : i32
    %dma_wait3A_46 = tpu.memref_slice %arg4[%select_n3A, %select_n3A_39, %dma_wait3A_45] : memref<200x4096x128xf32, #tpu.memory_space<hbm>> -> memref<1x128x64xf32, #tpu.memory_space<hbm>>
    %dma_wait3A_47 = tpu.memref_squeeze %dma_wait3A_46 : memref<1x128x64xf32, #tpu.memory_space<hbm>> -> memref<128x64xf32, #tpu.memory_space<hbm>>
    %dma_wait3A_48 = tpu.memref_slice %arg8[%dma_wait3A_40] : memref<2x!tpu.dma_semaphore, #tpu.memory_space<semaphore_mem>> -> memref<1x!tpu.dma_semaphore, #tpu.memory_space<semaphore_mem>>
    %dma_wait3A_49 = tpu.memref_squeeze %dma_wait3A_48 : memref<1x!tpu.dma_semaphore, #tpu.memory_space<semaphore_mem>> -> memref<!tpu.dma_semaphore, #tpu.memory_space<semaphore_mem>>
    %dma_wait3A_50 = arith.constant 0 : i32
    %dma_wait3A_51 = tpu.memref_slice %arg4[%select_n3A, %select_n3A_39, %dma_wait3A_50] : memref<200x4096x128xf32, #tpu.memory_space<hbm>> -> memref<1x128x64xf32, #tpu.memory_space<hbm>>
    %dma_wait3A_52 = tpu.memref_squeeze %dma_wait3A_51 : memref<1x128x64xf32, #tpu.memory_space<hbm>> -> memref<128x64xf32, #tpu.memory_space<hbm>>
    %dma_wait3A_53 = arith.constant 0 : i32
    %dma_wait3A_54 = arith.constant 0 : i32
    %dma_wait3A_55 = tpu.memref_slice %arg6[%dma_wait3A, %dma_wait3A_53, %dma_wait3A_54] : memref<2x128x64xf32, #tpu.memory_space<vmem>> -> memref<1x128x64xf32, #tpu.memory_space<vmem>>
    %dma_wait3A_56 = tpu.memref_squeeze %dma_wait3A_55 : memref<1x128x64xf32, #tpu.memory_space<vmem>> -> memref<128x64xf32, #tpu.memory_space<vmem>>
    tpu.wait_dma2 semaphore(%dma_wait3A_49 : memref<!tpu.dma_semaphore, #tpu.memory_space<semaphore_mem>>) src(%dma_wait3A_56 : memref<128x64xf32, #tpu.memory_space<vmem>>) dst(%dma_wait3A_52 : memref<128x64xf32, #tpu.memory_space<hbm>>)
    %add3A_57 = arith.constant 25472 : i32
    %add3A_58 = arith.addi %mul3A_2, %add3A_57 : i32
    %jit3A_59 = arith.constant 4096 : i32
    %div3A_60 = arith.divsi %add3A_58, %jit3A_59 : i32
    %sign3A_61 = arith.constant 0 : i32
    %sign3A_62 = arith.cmpi sgt, %add3A_58, %sign3A_61 : i32
    %sign3A_63 = arith.extui %sign3A_62 : i1 to i32
    %sign3A_64 = arith.constant 0 : i32
    %sign3A_65 = arith.cmpi slt, %add3A_58, %sign3A_64 : i32
    %sign3A_66 = arith.extui %sign3A_65 : i1 to i32
    %sign3A_67 = arith.subi %sign3A_63, %sign3A_66 : i32
    %sign3A_68 = arith.constant 0 : i32
    %sign3A_69 = arith.cmpi sgt, %jit3A_59, %sign3A_68 : i32
    %sign3A_70 = arith.extui %sign3A_69 : i1 to i32
    %sign3A_71 = arith.constant 0 : i32
    %sign3A_72 = arith.cmpi slt, %jit3A_59, %sign3A_71 : i32
    %sign3A_73 = arith.extui %sign3A_72 : i1 to i32
    %sign3A_74 = arith.subi %sign3A_70, %sign3A_73 : i32
    %ne3A_75 = arith.cmpi ne, %sign3A_67, %sign3A_74 : i32
    %rem3A_76 = arith.remsi %add3A_58, %jit3A_59 : i32
    %ne3A_77 = arith.constant 0 : i32
    %ne3A_78 = arith.cmpi ne, %rem3A_76, %ne3A_77 : i32
    %and3A_79 = arith.andi %ne3A_75, %ne3A_78 : i1
    %sub3A_80 = arith.constant 1 : i32
    %sub3A_81 = arith.subi %div3A_60, %sub3A_80 : i32
    %select_n3A_82 = arith.select %and3A_79, %sub3A_81, %div3A_60 : i32
    %jit3A_83 = arith.constant 4096 : i32
    %eq3A_84 = arith.constant 0 : i32
    %eq3A_85 = arith.cmpi eq, %jit3A_83, %eq3A_84 : i32
    %jit3A_86 = arith.constant 1 : i32
    %select_n3A_87 = arith.select %eq3A_85, %jit3A_86, %jit3A_83 : i32
    %rem3A_88 = arith.remsi %add3A_58, %select_n3A_87 : i32
    %ne3A_89 = arith.constant 0 : i32
    %ne3A_90 = arith.cmpi ne, %rem3A_88, %ne3A_89 : i32
    %lt3A_91 = arith.constant 0 : i32
    %lt3A_92 = arith.cmpi slt, %rem3A_88, %lt3A_91 : i32
    %lt3A_93 = arith.constant 0 : i32
    %lt3A_94 = arith.cmpi slt, %select_n3A_87, %lt3A_93 : i32
    %ne3A_95 = arith.xori %lt3A_92, %lt3A_94 : i1
    %and3A_96 = arith.andi %ne3A_95, %ne3A_90 : i1
    %add3A_97 = arith.addi %rem3A_88, %select_n3A_87 : i32
    %select_n3A_98 = arith.select %and3A_96, %add3A_97, %rem3A_88 : i32
    %dma_wait3A_99 = arith.constant 1 : i32
    %dma_wait3A_100 = arith.constant 1 : i32
    %dma_wait3A_101 = arith.constant 0 : i32
    %dma_wait3A_102 = arith.constant 0 : i32
    %dma_wait3A_103 = tpu.memref_slice %arg6[%dma_wait3A_99, %dma_wait3A_101, %dma_wait3A_102] : memref<2x128x64xf32, #tpu.memory_space<vmem>> -> memref<1x128x64xf32, #tpu.memory_space<vmem>>
    %dma_wait3A_104 = tpu.memref_squeeze %dma_wait3A_103 : memref<1x128x64xf32, #tpu.memory_space<vmem>> -> memref<128x64xf32, #tpu.memory_space<vmem>>
    %dma_wait3A_105 = arith.constant 0 : i32
    %dma_wait3A_106 = tpu.memref_slice %arg4[%select_n3A_82, %select_n3A_98, %dma_wait3A_105] : memref<200x4096x128xf32, #tpu.memory_space<hbm>> -> memref<1x128x64xf32, #tpu.memory_space<hbm>>
    %dma_wait3A_107 = tpu.memref_squeeze %dma_wait3A_106 : memref<1x128x64xf32, #tpu.memory_space<hbm>> -> memref<128x64xf32, #tpu.memory_space<hbm>>
    %dma_wait3A_108 = tpu.memref_slice %arg8[%dma_wait3A_100] : memref<2x!tpu.dma_semaphore, #tpu.memory_space<semaphore_mem>> -> memref<1x!tpu.dma_semaphore, #tpu.memory_space<semaphore_mem>>
    %dma_wait3A_109 = tpu.memref_squeeze %dma_wait3A_108 : memref<1x!tpu.dma_semaphore, #tpu.memory_space<semaphore_mem>> -> memref<!tpu.dma_semaphore, #tpu.memory_space<semaphore_mem>>
    %dma_wait3A_110 = arith.constant 0 : i32
    %dma_wait3A_111 = tpu.memref_slice %arg4[%select_n3A_82, %select_n3A_98, %dma_wait3A_110] : memref<200x4096x128xf32, #tpu.memory_space<hbm>> -> memref<1x128x64xf32, #tpu.memory_space<hbm>>
    %dma_wait3A_112 = tpu.memref_squeeze %dma_wait3A_111 : memref<1x128x64xf32, #tpu.memory_space<hbm>> -> memref<128x64xf32, #tpu.memory_space<hbm>>
    %dma_wait3A_113 = arith.constant 0 : i32
    %dma_wait3A_114 = arith.constant 0 : i32
    %dma_wait3A_115 = tpu.memref_slice %arg6[%dma_wait3A_99, %dma_wait3A_113, %dma_wait3A_114] : memref<2x128x64xf32, #tpu.memory_space<vmem>> -> memref<1x128x64xf32, #tpu.memory_space<vmem>>
    %dma_wait3A_116 = tpu.memref_squeeze %dma_wait3A_115 : memref<1x128x64xf32, #tpu.memory_space<vmem>> -> memref<128x64xf32, #tpu.memory_space<vmem>>
    tpu.wait_dma2 semaphore(%dma_wait3A_109 : memref<!tpu.dma_semaphore, #tpu.memory_space<semaphore_mem>>) src(%dma_wait3A_116 : memref<128x64xf32, #tpu.memory_space<vmem>>) dst(%dma_wait3A_112 : memref<128x64xf32, #tpu.memory_space<hbm>>)
    return
  }
}

</mosaic_0001>

<sc_bundles>
// kernel: kernel.3.cloned.1.call-start
scs
__scs_entry_jumppad:
0x0: {  	(pc) =	sbr.rel $0x88, $3  }
0x1: {  	(tag) =	ssettag $0x0;
	lr =	simm.s32 $0x1  }
0x2: {  	[smem:$0x3F9F] =	sst lr;
	_ =	strace $0xD0000000  }
0x3: {  	_ = 	snop  }
0x4: {  	_ = 	snop  }
0x5: {  	_ = 	snop  }
0x6: {  	_ = 	snop  }
0x7: {  	_ = 	snop  }
__scs_overlays_trampoline_lowered:
0x8: {  	[smem:$0x3FAE] =	sst s0  }
0x9: {  	[smem:$0x3FAF] =	sst s1  }
0xa: {  	[smem:$0x3FB0] =	sst s2  }
0xb: {  	[smem:$0x3FB1] =	sst s3  }
0xc: {  	[smem:$0x3FB2] =	sst s4  }
0xd: {  	[smem:$0x3FB3] =	sst s5  }
0xe: {  	[smem:$0x3FB4] =	sst s6  }
0xf: {  	[smem:$0x3FB5] =	sst s7  }
0x10: {  	[smem:$0x3FB6] =	sst s8  }
0x11: {  	[smem:$0x3FB7] =	sst s9;
	s0 =	simm.s32 @!p0 $0x0  }
0x12: {  	s1 =	sld [smem:$0x3F9D];
	s0 =	simm.s32 @p0 $0x1  }
0x13: {  	[smem:$0x3FB8] =	sst s0;
	s0 =	simm.s32 @!p1 $0x0  }
0x14: {  	s2 =	sld [smem:$0x3F9C];
	s0 =	simm.s32 @p1 $0x1  }
0x15: {  	[smem:$0x3FB9] =	sst s0;
	s0 =	simm.s32 @!p2 $0x0  }
0x16: {  	s3 =	sld [smem:$0x3FDB];
	s0 =	simm.s32 @p2 $0x1  }
0x17: {  	s4 =	simm.s32 $0x1BF5;
	[smem:$0x3FBB] =	sst s0  }
0x18: {  	s0 =	sld [smem:$0x3F9E];
	_ =	swait.ge [sflag:s4], $0x0  }
0x19: {  	s7 =	sld [smem:$0x3F9F]  }
0x1a: {  	s8 =	sadd.s32 $0xFFFFE003, lr  }
0x1b: {  	s9 =	sadd.s32 $0xFFFFFEF7, lr;
	s5 =	simm.s32 $0xFFFFFFFF;
	p2 =	slt.u32 s8, $0xFFFFF086  }
0x1c: {  	p1 =	slt.u32 s9, $0xF7A;
	s5 =	simm.s32 @!p2 $0x0  }
0x1d: {  	s5 =	simm.s32 @p1 $0x1;
	p0 =	seq.s32 s7, s2  }
0x1e: {  	s7 =	smul.u32 @!p0 $0xF7A, s2;
	p2 =	seq.s32 @!p0 s5, $0x0  }
0x1f: {  	s9 =	smul.u32 $0xF7A, s1;
	s8 =	simm.s32 @!p0 $0x1BF5;
	p2 =	por !p2, p0  }
0x20: {  	[sflag:s8] =	ssyncset.s32 @!p0 $0xFFFFF086;
	s6 =	sadd.s32 @!p0 s3, s7;
	s7 =	simm.s32 @!p0 $0x108  }
0x21: {  	s3 =	sadd.s32 s3, s9;
	s6 =	sadd.s32 @!p0 $0x88, s6;
	s7 =	simm.s32 @p2 $0x1082  }
0x22: {  	[simem:s7], [sflag:s8] =	dma.local @!p0 [hbm:s6], $0xF7A  }
0x23: {  	s9 =	sor.u32 $0xD0000000, s2;
	s6 =	simm.s32 $0x108;
	_ =	swait.ge @!p0 [sflag:s8], $0x0  }
0x24: {  	s3 =	sadd.s32 $0x88, s3;
	s6 =	simm.s32 @!p1 $0x1082;
	[sflag:s4] =	ssyncset.s32 $0xFFFFF086  }
0x25: {  	[simem:s6], [sflag:s4] =	dma.local [hbm:s3], $0xF7A  }
0x26: {  	[smem:$0x3F9F] =	sst s1;
	(tag) =	ssettag s2;
	_ =	strace s9  }
0x27: {  	s1 =	sld [smem:$0x3FAF]  }
0x28: {  	s2 =	sld [smem:$0x3FB0]  }
0x29: {  	s4 =	sld [smem:$0x3FB2]  }
0x2a: {  	p0 =	seq.s32 s5, $0x0;
	s5 =	sld [smem:$0x3FB3]  }
0x2b: {  	s6 =	sld [smem:$0x3FB4]  }
0x2c: {  	s7 =	sld [smem:$0x3FB5]  }
0x2d: {  	s3 =	simm.s32 $0x108;
	s8 =	sld [smem:$0x3FB6]  }
0x2e: {  	s3 =	simm.s32 @!p0 $0x1082;
	s9 =	sld [smem:$0x3FB7]  }
0x2f: {  	lr =	sadd.s32 s0, s3;
	s0 =	sld [smem:$0x3FAE]  }
0x30: {  	s3 =	sld [smem:$0x3FB1]  }
0x31: {  	[smem:$0x3FBA] =	sst s10  }
0x32: {  	s10 =	sld [smem:$0x3FB8];
	_ =	sdelay $0x3  }
0x33: {  	p0 =	seq.s32 s10, $0x1;
	s10 =	sld [smem:$0x3FBA];
	_ =	sdelay $0x3  }
0x34: {  	[smem:$0x3FBA] =	sst s10  }
0x35: {  	s10 =	sld [smem:$0x3FB9];
	_ =	sdelay $0x3  }
0x36: {  	p1 =	seq.s32 s10, $0x1;
	s10 =	sld [smem:$0x3FBA];
	_ =	sdelay $0x3  }
0x37: {  	[smem:$0x3FBA] =	sst s10  }
0x38: {  	s10 =	sld [smem:$0x3FBB]  }
0x39: {  	_ = 	snop;
	(pc) =	sbr.ind lr, $3  }
0x3a: {  	_ = 	snop  }
0x3b: {  	_ = 	snop  }
0x3c: {  	p2 =	seq.s32 s10, $0x1;
	s10 =	sld [smem:$0x3FBA]  }
0x3d: {  	_ =	shalt  }
0x3e: {  	_ =	shalt  }
0x3f: {  	_ =	shalt  }
0x40: {  	_ =	shalt  }
0x41: {  	_ =	shalt  }
0x42: {  	_ =	shalt  }
0x43: {  	_ =	shalt  }
0x44: {  	_ =	shalt  }
0x45: {  	_ =	shalt  }
0x46: {  	_ =	shalt  }
0x47: {  	_ =	shalt  }
0x48: {  	_ =	shalt  }
0x49: {  	_ =	shalt  }
0x4a: {  	_ =	shalt  }
0x4b: {  	_ =	shalt  }
0x4c: {  	_ =	shalt  }
0x4d: {  	_ =	shalt  }
0x4e: {  	_ =	shalt  }
0x4f: {  	_ =	shalt  }
0x50: {  	_ =	shalt  }
0x51: {  	_ =	shalt  }
0x52: {  	_ =	shalt  }
0x53: {  	_ =	shalt  }
0x54: {  	_ =	shalt  }
0x55: {  	_ =	shalt  }
0x56: {  	_ =	shalt  }
0x57: {  	_ =	shalt  }
0x58: {  	_ =	shalt  }
0x59: {  	_ =	shalt  }
0x5a: {  	_ =	shalt  }
0x5b: {  	_ =	shalt  }
0x5c: {  	_ =	shalt  }
0x5d: {  	_ =	shalt  }
0x5e: {  	_ =	shalt  }
0x5f: {  	_ =	shalt  }
0x60: {  	_ =	shalt  }
0x61: {  	_ =	shalt  }
0x62: {  	_ =	shalt  }
0x63: {  	_ =	shalt  }
0x64: {  	_ =	shalt  }
0x65: {  	_ =	shalt  }
0x66: {  	_ =	shalt  }
0x67: {  	_ =	shalt  }
0x68: {  	_ =	shalt  }
0x69: {  	_ =	shalt  }
0x6a: {  	_ =	shalt  }
0x6b: {  	_ =	shalt  }
0x6c: {  	_ =	shalt  }
0x6d: {  	_ =	shalt  }
0x6e: {  	_ =	shalt  }
0x6f: {  	_ =	shalt  }
0x70: {  	_ =	shalt  }
0x71: {  	_ =	shalt  }
0x72: {  	_ =	shalt  }
0x73: {  	_ =	shalt  }
0x74: {  	_ =	shalt  }
0x75: {  	_ =	shalt  }
0x76: {  	_ =	shalt  }
0x77: {  	_ =	shalt  }
0x78: {  	_ =	shalt  }
0x79: {  	_ =	shalt  }
0x7a: {  	_ =	shalt  }
0x7b: {  	_ =	shalt  }
0x7c: {  	_ =	shalt  }
0x7d: {  	_ =	shalt  }
0x7e: {  	_ =	shalt  }
0x7f: {  	_ =	shalt  }
0x80: {  	_ =	shalt  }
0x81: {  	_ =	shalt  }
0x82: {  	_ =	shalt  }
0x83: {  	_ =	shalt  }
0x84: {  	_ =	shalt  }
0x85: {  	_ =	shalt  }
0x86: {  	_ =	shalt  }
0x87: {  	_ =	shalt  }
.Lfunc_end0:
.L_simem_size_0:
called_computation.2_lowered:
.L_overlay_start_0:
0x88: {  	s2 =	sld [smem:$0x3FD9]  }
0x89: {  	s3 =	sld [smem:$0x3FFE];
	_ =	sdelay $0x1  }
0x8a: {  	s1 =	srdreg.scid  }
0x8b: {  	s0 =	sand.u32 $0x1, s1  }
0x8c: {  	s17 =	sshll.u32 s0, $0xA;
	s2 =	sadd.s32 s3, s2  }
0x8d: {  	s2 =	sadd.s32 s2, s17  }
0x8e: {  	[smem:$0x3FC6] =	sst s2  }
0x8f: {  	_ = 	snop  }
0x90: {  	s2 =	sld [smem:$0x3FD0];
	(tm) =	ssettm $0x1  }
0x91: {  	s18 =	sld [smem:$0x3FFB];
	_ =	sdelay $0x3  }
0x92: {  	_ =	strace s18  }
0x93: {  	s3 =	sld [smem:$0x3FFC];
	_ =	sdelay $0x3  }
0x94: {  	_ =	strace s3  }
0x95: {  	s3 =	sld [smem:$0x3FFD];
	_ =	sdelay $0x3  }
0x96: {  	_ =	strace s3  }
0x97: {  	_ =	strace $0x8FFFFFFF  }
0x98: {  	s19 =	sld [smem:$0x3FDB];
	_ =	sdelay $0x1  }
0x99: {  	s4 =	simm.s32 $_scs_section_size  }
0x9a: {  	s5 =	simm.s32 $_size__tile_overlayer_lowered;
	s6 =	simm.s32 $_tile_overlayer_lowered  }
0x9b: {  	s22 =	simm.s32 $0x1BFF;
	s21 =	sshll.u32 s6, $0x1;
	s3 =	sadd.s32 s4, s19  }
0x9c: {  	s7 =	simm.s32 $0x0;
	s20 =	sshll.u32 s5, $0x1;
	s5 =	sadd.s32 s21, s3  }
0x9d: {  	[timem:s7], [sflag:s22] =	dma.local [hbm:s5], s20  }
0x9e: {  	_ =	swait.ge [sflag:s22], s20  }
0x9f: {  	s4 =	ssub.s32 $0x0, s20;
	[sflag:s22] =	ssyncset.done $0x0  }
0xa0: {  	[sflag:s22] =	ssyncadd.s32 s4;
	_ =	sdelay $0x1  }
0xa1: {  	s23 =	simm.s32 $0x1B8B  }
0xa2: {  	_ =	swait.ge [sflag:s23], $0x1  }
0xa3: {  	[sflag:s23] =	ssyncset.done $0x0  }
0xa4: {  	s25 =	simm.s32 $0x1B8E;
	s24 =	sld [smem:$0x3FFE];
	[sflag:s23] =	ssyncadd.s32 $0xFFFFFFFF  }
0xa5: {  	s26 =	simm.s32 $execute0_lowered;
	[smem:$0x3FD2] =	sst s25  }
0xa6: {  	s5 =	sshll.u32 s26, $0x1;
	_ =	strace $0x80000049;
	[dreg:$0x1] =	wrdreg $0xFFFFFFFF  }
0xa7: {  	s28 =	simm.s32 $_size_execute0_lowered;
	s3 =	sadd.s32 s3, s5;
	[dreg:$0x0] =	wrdreg $0x0  }
0xa8: {  	s5 =	sshll.u32 s28, $0x1;
	[dreg:$0x2] =	wrdreg s3  }
0xa9: {  	[dreg:$0x3] =	wrdreg s5  }
0xaa: {  	[dreg:$0x4] =	wrdreg $0xC0  }
0xab: {  	_ =	task [dreg:s7], $0x5FFFF  }
0xac: {  	[dreg:$0x1] =	wrdreg $0xFFFFFFFF  }
0xad: {  	[dreg:$0x0] =	wrdreg $0x60  }
0xae: {  	[dreg:$0x2] =	wrdreg s2  }
0xaf: {  	[dreg:$0x3] =	wrdreg s24  }
0xb0: {  	[dreg:$0x4] =	wrdreg $0x9  }
0xb1: {  	_ =	task.clear_ibuf [dreg:s7], $0x5FFFF;
	_ =	strace $0x90000049  }
0xb2: {  	s29 =	simm.s32 $0x9;
	_ =	strace $0x8000004B  }
0xb3: {  	_ =	swait.ge [sflag:s29], $0x1  }
0xb4: {  	[sflag:s29] =	ssyncadd.s32 $0xFFFFFFFF  }
0xb5: {  	_ =	strace $0x9000004B  }
0xb6: {  	_ =	sfence  }
0xb7: {  	s30 =	sld [smem:$0x0];
	_ =	sdelay $0x2  }
0xb8: {  	s31 =	sshll.u32 s1, $0xD;
	s1 =	sshrl.u32 s1, $0x2  }
0xb9: {  	s3 =	sand.u32 $0x4000, s31;
	s1 =	sadd.s32 s1, s30  }
0xba: {  	s0 =	sor.u32 s3, s0;
	s1 =	sshll.u32 s1, $0x11  }
0xbb: {  	s0 =	sor.u32 s1, s0  }
0xbc: {  	s0 =	sadd.s32 $0x8F2B, s0  }
0xbd: {  	[sflag:s0] =	ssyncadd.remote.s32 $0x1  }
0xbe: {  	_ =	sfence.sel $0xFFFF  }
0xbf: {  	[dreg:$0x0] =	wrdreg $0xFFFFFFFF;
	(pc) =	sbr.abs _section_cstart, $3  }
0xc0: {  	[dreg:$0x1] =	wrdreg $0xFFFFFFFF  }
0xc1: {  	_ =	task.clear_ibuf [dreg:s7], $0x2FFFF;
	_ =	strace $0x9FFFFFFF  }
0xc2: {  	(tm) =	ssettm $0x7FFFFFFF  }
0xc3: {  	_ =	shalt  }
tec
execute0_lowered:
.L_overlay_start_1:
0x0: {  	(tag) =	ssettag $0x1  }
0x1: {  	s12 =	rddreg [dreg:$0x0]  }
0x2: {  	s4 =	rddreg [dreg:$0x1]  }
0x3: {  	s0 =	rddreg [dreg:$0x2]  }
0x4: {  	s3 =	srdreg.scid;
	s1 =	stileid.u32  }
0x5: {  	s2 =	simm.s32 $0x0;
	s17 =	simm.s32 $0x1;
	s18 =	simm.s32 $0x40  }
0x6: {  	s19 =	simm.s32 $0x2;
	s20 =	simm.s32 $0x3;
	s21 =	simm.s32 $0x4  }
0x7: {  	s22 =	simm.s32 $0x0;
	s10 =	sand.u32 $0x1, s3;
	s24 =	smul.u32 $0xC800, s1  }
0x8: {  	s23 =	sshll.u32 s1, $0x1;
	[smem:$0x7FF] =	sst s2;
	s15 =	smul.u32 $0xC8000, s1  }
0x9: {  	s3 =	sadd.s32 $0xF43200, s4;
	s11 =	sadd.s32 $0xE00, s4;
	s9 =	smul.u32 $0x6400, s10  }
0xa: {  	s5 =	ssub.s32 $0x2, s10;
	s6 =	sor.u32 s10, s23;
	s16 =	smul.u32 $0x64000, s10  }
0xb: {  	_ =	strace $0x8000004A;
	s7 =	sshrl.u32 s5, $0x1;
	s8 =	smul.u32 $0x6400, s6  }
0xc: {  	s13 =	smul.u32 $0x64000, s6;
	s5 =	ssub.s32 s5, s7;
	s14 =	sadd.s32 s9, s24  }
0xd: {  	s4 =	smax.u32 s5, $0x1;
	s25 =	sshrl.u32 s8, $0x3;
	s8 =	sor.u32 $0x80, s8  }
0xe: {  	s7 =	sadd.s32 s11, s13;
	s28 =	sor.u32 $0x180, s14;
	s31 =	sor.u32 $0x100, s14  }
0xf: {  	s14 =	simm.s32 $0x80;
	s5 =	sadd.s32 s12, s25;
	s26 =	sshrl.u32 s8, $0x3  }
0x10: {  	s8 =	sshll.u32 s8, $0x4;
	s29 =	sshll.u32 s28, $0x4;
	s30 =	sshrl.u32 s28, $0x3  }
0x11: {  	s13 =	sshrl.u32 s31, $0x3;
	s6 =	sadd.s32 s12, s26;
	s8 =	sadd.s32 s11, s8  }
0x12: {  	s9 =	sadd.s32 s29, s11;
	s11 =	sadd.s32 s15, s11;
	s10 =	sadd.s32 s30, s12  }
0x13: {  	s12 =	sadd.s32 s13, s12;
	s13 =	simm.s32 $0x5;
	s11 =	sadd.s32 s16, s11  }
0x14: {  	s15 =	simm.s32 $0x100;
	s16 =	simm.s32 $0x2100;
	s11 =	sadd.s32 $0x1000, s11  }
.LBB2_1:
0x15: {  	[tilespmem:s2], [sflag:$0x5] =	stream.linear.gather [hbm4b:s5+s2], $0x80, $0x38;
	[tilespmem:$0x4100] =	vst v63  }
0x16: {  	_ =	swait.ge [sflag:s13], $0x80  }
0x17: {  	[sflag:s13] =	ssyncset.done $0x0  }
0x18: {  	[sflag:s13] =	ssyncadd.s32 $0xFFFFFF80  }
0x19: {  	[tilespmem:s15], [sflag:$0x1] =	stream.indirect.gather [hbm4b:s3+s14], $0x40, s2, s14, $0xb8;
	[tilespmem:$0x4100] =	vst v63  }
0x1a: {  	_ = 	snop  }
0x1b: {  	[tilespmem:s14], [sflag:$0x5] =	stream.linear.gather [hbm4b:s6+s2], $0x80, $0x38;
	[tilespmem:$0x4100] =	vst v63  }
0x1c: {  	_ =	swait.ge [sflag:s13], $0x80  }
0x1d: {  	[sflag:s13] =	ssyncset.done $0x0  }
0x1e: {  	[sflag:s13] =	ssyncadd.s32 $0xFFFFFF80  }
0x1f: {  	[tilespmem:s16], [sflag:$0x2] =	stream.indirect.gather [hbm4b:s3+s14], $0x40, s14, s14, $0xb8;
	[tilespmem:$0x4100] =	vst v63  }
0x20: {  	_ =	swait.ge [sflag:s17], $0x2000  }
0x21: {  	[sflag:s17] =	ssyncset.done $0x0  }
0x22: {  	[sflag:s17] =	ssyncadd.s32 $0xFFFFE000  }
0x23: {  	[hbm4b:s7+s18] =	stream.strided.scatter [tilespmem:s15], [sflag:$0x3], $0x2000, s14, s18, $0x38;
	[tilespmem:$0x4100] =	vst v63  }
0x24: {  	_ =	swait.ge [sflag:s19], $0x2000  }
0x25: {  	[sflag:s19] =	ssyncset.done $0x0  }
0x26: {  	[sflag:s19] =	ssyncadd.s32 $0xFFFFE000  }
0x27: {  	[hbm4b:s8+s18] =	stream.strided.scatter [tilespmem:s16], [sflag:$0x4], $0x2000, s14, s18, $0x38;
	[tilespmem:$0x4100] =	vst v63  }
0x28: {  	_ =	swait.ge [sflag:s20], $0x2000  }
0x29: {  	[sflag:s20] =	ssyncset.done $0x0  }
0x2a: {  	s23 =	sadd.s32 $0x0, s12;
	[sflag:s20] =	ssyncadd.s32 $0xFFFFE000  }
0x2b: {  	[tilespmem:s2], [sflag:$0x5] =	stream.linear.gather [hbm4b:s23+s2], $0x80, $0x38;
	[tilespmem:$0x4100] =	vst v63  }
0x2c: {  	_ =	swait.ge [sflag:s13], $0x80  }
0x2d: {  	[sflag:s13] =	ssyncset.done $0x0  }
0x2e: {  	[sflag:s13] =	ssyncadd.s32 $0xFFFFFF80  }
0x2f: {  	[tilespmem:s15], [sflag:$0x1] =	stream.indirect.gather [hbm4b:s3+s14], $0x40, s2, s14, $0xb8;
	[tilespmem:$0x4100] =	vst v63  }
0x30: {  	_ =	swait.ge [sflag:s21], $0x2000  }
0x31: {  	[sflag:s21] =	ssyncset.done $0x0  }
0x32: {  	s31 =	sadd.s32 $0x0, s10;
	[sflag:s21] =	ssyncadd.s32 $0xFFFFE000  }
0x33: {  	[tilespmem:s14], [sflag:$0x5] =	stream.linear.gather [hbm4b:s31+s2], $0x80, $0x38;
	[tilespmem:$0x4100] =	vst v63  }
0x34: {  	_ =	swait.ge [sflag:s13], $0x80  }
0x35: {  	[sflag:s13] =	ssyncset.done $0x0  }
0x36: {  	[sflag:s13] =	ssyncadd.s32 $0xFFFFFF80  }
0x37: {  	[tilespmem:s16], [sflag:$0x2] =	stream.indirect.gather [hbm4b:s3+s14], $0x40, s14, s14, $0xb8;
	[tilespmem:$0x4100] =	vst v63  }
0x38: {  	_ =	swait.ge [sflag:s17], $0x2000  }
0x39: {  	[sflag:s17] =	ssyncset.done $0x0  }
0x3a: {  	[sflag:s17] =	ssyncadd.s32 $0xFFFFE000  }
0x3b: {  	[hbm4b:s11+s18] =	stream.strided.scatter [tilespmem:s15], [sflag:$0x3], $0x2000, s14, s18, $0x38;
	[tilespmem:$0x4100] =	vst v63  }
0x3c: {  	_ =	swait.ge [sflag:s19], $0x2000  }
0x3d: {  	s24 =	sadd.s32 $0x1000, s9;
	s25 =	sadd.s32 $0x1000, s11;
	[sflag:s19] =	ssyncset.done $0x0  }
0x3e: {  	s26 =	smov.u32 s9;
	s23 =	simm.s32 $0x20;
	[sflag:s19] =	ssyncadd.s32 $0xFFFFE000  }
.LBB2_2:
0x3f: {  	[hbm4b:s26+s18] =	stream.strided.scatter [tilespmem:s16], [sflag:$0x4], $0x2000, s14, s18, $0x38;
	[tilespmem:$0x4100] =	vst v63  }
0x40: {  	s28 =	smov.u32 s23;
	s26 =	smov.u32 s24  }
0x41: {  	p0 =	sne.s32 s23, $0xC40;
	s23 =	sadd.s32 $0x20, s23;
	_ =	swait.ge [sflag:s20], $0x2000  }
0x42: {  	[sflag:s20] =	ssyncset.done $0x0  }
0x43: {  	s29 =	sadd.s32 s28, s12;
	[sflag:s20] =	ssyncadd.s32 $0xFFFFE000  }
0x44: {  	[tilespmem:s2], [sflag:$0x5] =	stream.linear.gather [hbm4b:s29+s2], $0x80, $0x38;
	[tilespmem:$0x4100] =	vst v63  }
0x45: {  	_ =	swait.ge [sflag:s13], $0x80  }
0x46: {  	[sflag:s13] =	ssyncset.done $0x0  }
0x47: {  	[sflag:s13] =	ssyncadd.s32 $0xFFFFFF80  }
0x48: {  	[tilespmem:s15], [sflag:$0x1] =	stream.indirect.gather [hbm4b:s3+s14], $0x40, s2, s14, $0xb8;
	[tilespmem:$0x4100] =	vst v63  }
0x49: {  	_ =	swait.ge [sflag:s21], $0x2000  }
0x4a: {  	[sflag:s21] =	ssyncset.done $0x0  }
0x4b: {  	s28 =	sadd.s32 s28, s10;
	[sflag:s21] =	ssyncadd.s32 $0xFFFFE000  }
0x4c: {  	[tilespmem:s14], [sflag:$0x5] =	stream.linear.gather [hbm4b:s28+s2], $0x80, $0x38;
	[tilespmem:$0x4100] =	vst v63  }
0x4d: {  	_ =	swait.ge [sflag:s13], $0x80  }
0x4e: {  	[sflag:s13] =	ssyncset.done $0x0  }
0x4f: {  	[sflag:s13] =	ssyncadd.s32 $0xFFFFFF80  }
0x50: {  	[tilespmem:s16], [sflag:$0x2] =	stream.indirect.gather [hbm4b:s3+s14], $0x40, s14, s14, $0xb8;
	[tilespmem:$0x4100] =	vst v63  }
0x51: {  	_ =	swait.ge [sflag:s17], $0x2000  }
0x52: {  	[sflag:s17] =	ssyncset.done $0x0  }
.Ltmp0:
0x53: {  	[sflag:s17] =	ssyncadd.s32 $0xFFFFE000;
	(pc) =	sbr.rel @p0 .LBB2_2-.Ltmp0, $4  }
0x54: {  	[hbm4b:s25+s18] =	stream.strided.scatter [tilespmem:s15], [sflag:$0x3], $0x2000, s14, s18, $0x38;
	[tilespmem:$0x4100] =	vst v63  }
0x55: {  	_ =	swait.ge [sflag:s19], $0x2000  }
0x56: {  	[sflag:s19] =	ssyncset.done $0x0  }
0x57: {  	s24 =	sadd.s32 $0x1000, s24;
	s25 =	sadd.s32 $0x1000, s25;
	[sflag:s19] =	ssyncadd.s32 $0xFFFFE000  }
0x58: {  	[hbm4b:s26+s18] =	stream.strided.scatter [tilespmem:s16], [sflag:$0x4], $0x2000, s14, s18, $0x38;
	[tilespmem:$0x4100] =	vst v63  }
0x59: {  	s22 =	sadd.s32 $0x1, s22  }
0x5a: {  	_ =	swait.ge [sflag:s20], $0x2000;
	p0 =	sne.s32 s22, s4  }
.Ltmp1:
0x5b: {  	[sflag:s20] =	ssyncset.done $0x0;
	(pc) =	sbr.rel @p0 .LBB2_1-.Ltmp1, $4  }
0x5c: {  	[sflag:s20] =	ssyncadd.s32 $0xFFFFE000  }
0x5d: {  	_ =	swait.ge [sflag:s21], $0x2000  }
0x5e: {  	[sflag:s21] =	ssyncset.done $0x0  }
0x5f: {  	[sflag:s21] =	ssyncadd.s32 $0xFFFFE000  }
0x60: {  	_ =	sfence.sel $0x180000  }
0x61: {  	[bflag:$0x0] =	sbarrier.arrive $0xFFFF  }
0x62: {  	p0 =	sne.s32 s1, $0x0;
	_ =	strace $0x9000004A  }
0x63: {  	s0 =	sadd.s32 @!p0 $0x100000, s0;
	[bflag:$0x2] =	sbarrier.arrive $0xFFFF  }
0x64: {  	[sflag:s0] =	ssyncadd.tile.s32 @!p0 $0x1;
	_ =	shalt  }
.Lfunc_end2:
_tile_overlayer_lowered:
.L_overlay_start_2:
0x65: {  	(tag) =	ssettag $0x2  }
0x66: {  	s0 =	rddreg [dreg:$0x0];
	s2 =	stileid.u32  }
0x67: {  	s1 =	rddreg [dreg:$0x1];
	p0 =	sne.s32 s2, $0x0  }
0x68: {  	s3 =	rddreg [dreg:$0x2];
	[bflag:$0x3] =	sbarrier.arrive $0xFFFF;
	s2 =	simm.s32 @!p0 $0x1C05  }
0x69: {  	[timem:s3], [sflag:s2] =	dma.local @!p0 [hbm:s0], s1  }
0x6a: {  	s0 =	simm.s32 @!p0 $0x5  }
0x6b: {  	_ =	swait.ge @!p0 [sflag:s0], s1  }
0x6c: {  	s1 =	ssub.s32 @!p0 $0x0, s1;
	[sflag:s0] =	ssyncset.done @!p0 $0x0  }
0x6d: {  	[sflag:s0] =	ssyncadd.s32 @!p0 s1  }
0x6e: {  	[bflag:$0x3] =	sbarrier.arrive $0xFFFF  }
0x6f: {  	_ =	shalt  }

// kernel: sparse-core-data-format-call.1.cloned.1.call-start
scs
called_computation.1_lowered:
.L_overlay_start_0:
0x0: {  	s2 =	sld [smem:$0x3FD9]  }
0x1: {  	s3 =	sld [smem:$0x3FFE];
	_ =	sdelay $0x1  }
0x2: {  	s1 =	srdreg.scid  }
0x3: {  	s0 =	sand.u32 $0x1, s1  }
0x4: {  	s18 =	sshll.u32 s0, $0xA;
	s2 =	sadd.s32 s3, s2  }
0x5: {  	s2 =	sadd.s32 s2, s18  }
0x6: {  	[smem:$0x3FC6] =	sst s2  }
0x7: {  	_ = 	snop  }
0x8: {  	s2 =	sld [smem:$0x3FC8];
	(tm) =	ssettm $0x1  }
0x9: {  	s19 =	sld [smem:$0x3FFB];
	_ =	sdelay $0x3  }
0xa: {  	_ =	strace s19  }
0xb: {  	s3 =	sld [smem:$0x3FFC];
	_ =	sdelay $0x3  }
0xc: {  	_ =	strace s3  }
0xd: {  	s3 =	sld [smem:$0x3FFD];
	_ =	sdelay $0x3  }
0xe: {  	_ =	strace s3  }
0xf: {  	_ =	strace $0x8FFFFFFF  }
0x10: {  	s20 =	sld [smem:$0x3FDB];
	_ =	sdelay $0x1  }
0x11: {  	s4 =	simm.s32 $_scs_section_size  }
0x12: {  	s5 =	simm.s32 $_size__tile_overlayer_lowered;
	s6 =	simm.s32 $_tile_overlayer_lowered  }
0x13: {  	s23 =	simm.s32 $0x1BFF;
	s22 =	sshll.u32 s6, $0x1;
	s3 =	sadd.s32 s4, s20  }
0x14: {  	s7 =	simm.s32 $0x0;
	s21 =	sshll.u32 s5, $0x1;
	s5 =	sadd.s32 s22, s3  }
0x15: {  	[timem:s7], [sflag:s23] =	dma.local [hbm:s5], s21  }
0x16: {  	_ =	swait.ge [sflag:s23], s21  }
0x17: {  	s4 =	ssub.s32 $0x0, s21;
	[sflag:s23] =	ssyncset.done $0x0  }
0x18: {  	[sflag:s23] =	ssyncadd.s32 s4;
	_ =	sdelay $0x1  }
0x19: {  	s24 =	simm.s32 $0x1B8B  }
0x1a: {  	_ =	swait.ge [sflag:s24], $0x1  }
0x1b: {  	[sflag:s24] =	ssyncset.done $0x0  }
0x1c: {  	s26 =	simm.s32 $0x1B8E;
	s25 =	sld [smem:$0x3FFE];
	[sflag:s24] =	ssyncadd.s32 $0xFFFFFFFF  }
0x1d: {  	s27 =	simm.s32 $execute0_lowered;
	[smem:$0x3FD2] =	sst s26  }
0x1e: {  	s5 =	sshll.u32 s27, $0x1;
	_ =	strace $0x80000046;
	[dreg:$0x1] =	wrdreg $0xFFFFFFFF  }
0x1f: {  	s28 =	simm.s32 $_size_execute0_lowered;
	s3 =	sadd.s32 s3, s5;
	[dreg:$0x0] =	wrdreg $0x0  }
0x20: {  	s5 =	sshll.u32 s28, $0x1;
	[dreg:$0x2] =	wrdreg s3  }
0x21: {  	[dreg:$0x3] =	wrdreg s5  }
0x22: {  	[dreg:$0x4] =	wrdreg $0xC0  }
0x23: {  	_ =	task [dreg:s7], $0x5FFFF  }
0x24: {  	[dreg:$0x1] =	wrdreg $0xFFFFFFFF  }
0x25: {  	[dreg:$0x0] =	wrdreg $0x60  }
0x26: {  	[dreg:$0x2] =	wrdreg s2  }
0x27: {  	[dreg:$0x3] =	wrdreg s25  }
0x28: {  	[dreg:$0x4] =	wrdreg $0x9  }
0x29: {  	_ =	task.clear_ibuf [dreg:s7], $0x5FFFF;
	_ =	strace $0x90000046  }
0x2a: {  	s29 =	simm.s32 $0x9;
	_ =	strace $0x80000048  }
0x2b: {  	_ =	swait.ge [sflag:s29], $0x1  }
0x2c: {  	[sflag:s29] =	ssyncadd.s32 $0xFFFFFFFF  }
0x2d: {  	_ =	strace $0x90000048  }
0x2e: {  	_ =	sfence  }
0x2f: {  	s30 =	sld [smem:$0x0];
	_ =	sdelay $0x2  }
0x30: {  	s31 =	sshll.u32 s1, $0xD;
	s1 =	sshrl.u32 s1, $0x2  }
0x31: {  	s3 =	sand.u32 $0x4000, s31;
	s1 =	sadd.s32 s1, s30  }
0x32: {  	s0 =	sor.u32 s3, s0;
	s1 =	sshll.u32 s1, $0x11  }
0x33: {  	s0 =	sor.u32 s1, s0  }
0x34: {  	s0 =	sadd.s32 $0x8F2B, s0  }
0x35: {  	[sflag:s0] =	ssyncadd.remote.s32 $0x1  }
0x36: {  	_ =	sfence.sel $0xFFFF  }
0x37: {  	[dreg:$0x0] =	wrdreg $0xFFFFFFFF;
	(pc) =	sbr.abs _section_cstart, $3  }
0x38: {  	[dreg:$0x1] =	wrdreg $0xFFFFFFFF  }
0x39: {  	_ =	task.clear_ibuf [dreg:s7], $0x2FFFF;
	_ =	strace $0x9FFFFFFF  }
0x3a: {  	(tm) =	ssettm $0x7FFFFFFF  }
0x3b: {  	_ =	shalt  }
tec
execute0_lowered:
.L_overlay_start_1:
0x0: {  	(tag) =	ssettag $0x1  }
0x1: {  	s0 =	srdreg.scid;
	s2 =	rddreg [dreg:$0x0]  }
0x2: {  	s5 =	rddreg [dreg:$0x1];
	s1 =	stileid.u32  }
0x3: {  	s4 =	simm.s32 $0x1;
	s6 =	simm.s32 $0x2;
	s15 =	simm.s32 $0x0  }
0x4: {  	p0 =	por $0x0, $0x0;
	s8 =	simm.s32 $0x80;
	s0 =	sshll.u32 s0, $0x4  }
0x5: {  	s14 =	simm.s32 $0x0;
	s9 =	simm.s32 $0x0;
	s3 =	sand.u32 $0x10, s0  }
.Ltmp0:
0x6: {  	s10 =	simm.s32 $0x0;
	s3 =	sor.u32 s1, s3;
	(pc) =	sbr.rel .LBB1_1-.Ltmp0, $4  }
0x7: {  	s0 =	rddreg [dreg:$0x2];
	_ =	strace $0x80000047;
	s3 =	sshll.u32 s3, $0x7  }
0x8: {  	s12 =	simm.s32 $0x0;
	[sflag:s4] =	ssyncpa.u1 $0x0;
	s7 =	ssub.s32 $0xF4200, s3  }
0x9: {  	s13 =	simm.s32 $0x0;
	[sflag:s6] =	ssyncpa.u1 $0x0;
	s6 =	sshrl.u32 s7, $0xC  }
0xa: {  	s5 =	sadd.s32 $0xE00, s5;
	s11 =	smov.u32 s3;
	s7 =	sadd.s32 $0x2, s6  }
.LBB1_5:
0xb: {  	p1 =	slt.u32 s13, $0x2  }
0xc: {  	s17 =	smov.u32 s15;
	p2 =	sgt.s32 @!p1 s15, $0xF41C0;
	s16 =	sshra.s32 @!p1 s15, $0x1F  }
0xd: {  	p3 =	sgt.s32 @!p1 s14, $0x40;
	s18 =	sshra.s32 @!p1 s14, $0x1F;
	p2 =	por !p2, p1  }
0xe: {  	s15 =	sand.u32 @!p1 s16, s15;
	p3 =	por !p3, p1;
	s16 =	smov.u32 s14  }
0xf: {  	s14 =	sand.u32 @!p1 s18, s14;
	s17 =	simm.s32 @p2 $0xF41C0;
	s16 =	simm.s32 @p3 $0x40  }
0x10: {  	s15 =	ssub.s32 @!p1 s17, s15;
	s14 =	ssub.s32 @!p1 s16, s14  }
0x11: {  	s18 =	smov.u32 s12;
	s16 =	sadd.s32 @!p1 $0xFFF0BE40, s15;
	s17 =	sadd.s32 @!p1 $0xFFFFFFC0, s14  }
0x12: {  	s15 =	ssub.s32 @!p1 $0xF4240, s15;
	p2 =	sgt.s32 @!p1 s16, $0x7F;
	p3 =	sgt.s32 @!p1 s17, $0x3F  }
0x13: {  	s14 =	ssub.s32 @!p1 $0x80, s14;
	p2 =	por !p2, p1;
	p3 =	por !p3, p1  }
0x14: {  	s16 =	sadd.s32 $0x1000, s11;
	s15 =	simm.s32 @!p2 $0x0;
	s14 =	simm.s32 @!p3 $0x0  }
0x15: {  	p2 =	sgt.s32 s16, $0xF423F;
	s14 =	smul.u32 @!p1 s14, s15;
	s15 =	sadd.s32 $0x40, s12  }
0x16: {  	s18 =	smov.u32 @p2 s15  }
0x17: {  	s16 =	smov.u32 @p2 s3;
	p2 =	sgt.s32 s18, $0x3F  }
0x18: {  	s18 =	simm.s32 @p2 $0x0;
	p2 =	sne.s32 s13, s7  }
.Ltmp1:
0x19: {  	p0 =	por !p0, !p0;
	s17 =	simm.s32 @!p1 $0x2;
	(pc) =	sbr.rel @!p2 .LBB1_6-.Ltmp1, $4  }
0x1a: {  	s15 =	smov.u32 s9;
	s9 =	smov.u32 s11;
	s14 =	sand.u32 @!p1 $0x3FFFFFFF, s14  }
0x1b: {  	s11 =	smov.u32 s16;
	_ =	swait.ge @!p1 [sflag:s17], s14;
	s19 =	ssub.s32 @!p1 $0x0, s14  }
0x1c: {  	s14 =	smov.u32 s10;
	s13 =	sadd.s32 $0x1, s13;
	[sflag:s17] =	ssyncset.done @!p1 $0x0  }
0x1d: {  	s10 =	smov.u32 s12;
	s12 =	smov.u32 s18;
	[sflag:s17] =	ssyncadd.s32 @!p1 s19  }
.LBB1_1:
0x1e: {  	p1 =	sgt.u32 s13, s6  }
0x1f: {  	s16 =	sshrl.u32 @!p1 s12, $0x3  }
0x20: {  	s17 =	sshll.u32 @!p1 s11, $0x3;
	s16 =	smul.u32 @!p1 $0x7A1400, s16  }
0x21: {  	s18 =	sshll.u32 @!p1 s12, $0x7;
	s17 =	sand.u32 @!p1 $0xFFFFFC00, s17  }
0x22: {  	s16 =	sadd.s32 @!p1 s16, s17;
	s17 =	sand.u32 @!p1 $0x380, s18  }
0x23: {  	s18 =	sand.u32 @!p1 $0x7F, s11;
	s16 =	sor.u32 @!p1 s17, s16  }
0x24: {  	s17 =	sor.u32 @!p1 s18, s16  }
0x25: {  	s18 =	smulhi.u32 @!p1 $0x218D6287, s17;
	_ =	sdelay $0x1  }
0x26: {  	s16 =	smulhi.u32 @!p1 $0x218D6287, s16;
	s18 =	sshrl.u32 @!p1 s18, $0x11  }
0x27: {  	s18 =	smul.u32 @!p1 $0xF4280, s18  }
0x28: {  	s19 =	sxor.u32 @!p1 $0xFFFFFFFF, s13;
	s16 =	sshrl.u32 @!p1 s16, $0x11  }
0x29: {  	s19 =	sshll.u32 @!p1 s19, $0xD;
	s16 =	sand.u32 @!p1 $0x3F, s16;
	s17 =	ssub.s32 @!p1 s17, s18  }
0x2a: {  	s16 =	smul.u32 @!p1 $0x1E850, s16;
	s18 =	sshrl.u32 @!p1 s17, $0x3;
	s17 =	sand.u32 @!p1 $0x7, s17  }
0x2b: {  	s19 =	sand.u32 @!p1 $0x2000, s19;
	s18 =	sadd.s32 @!p1 s2, s18;
	s17 =	sshll.u32 @!p1 s17, $0x12  }
0x2c: {  	s16 =	sadd.s32 @!p1 s16, s18;
	s17 =	sor.u32 @!p1 $0x400, s17;
	s18 =	simm.s32 @!p1 $0x7A1400  }
0x2d: {  	[tilespmem:s19], [sflag:$0x1] =	stream.strided.gather @!p1 [hbm4b:s16+s17], $0x2000, s18, s17, $0x38;
	[tilespmem:$0x8100] =	vst v63  }
0x2e: {  	p1 =	seq.s32 s13, $0x0  }
0x2f: {  	p2 =	sge.u32 @!p1 s13, s7  }
0x30: {  	p1 =	por p1, p2  }
.Ltmp2:
0x31: {  	_ = 	snop;
	(pc) =	sbr.rel @p1 .LBB1_5-.Ltmp2, $1  }
0x32: {  	_ =	sdelay $0x3  }
0x33: {  	s16 =	simm.s32 $0x1  }
0x34: {  	_ =	swait.ge [sflag:s4], $0x2000;
	s16 =	simm.s32 @!p0 $0x0  }
0x35: {  	[sflag:s4] =	ssyncset.done $0x0;
	s17 =	sshll.u32 s16, $0xD  }
0x36: {  	[sflag:s4] =	ssyncadd.s32 $0xFFFFE000;
	s17 =	sor.u32 $0x40, s17  }
0x37: {  	s16 =	smul.u32 $0x8200, s16;
	v0 =	vld [tilespmem:s17+$0x30]  }
0x38: {  	v1 =	vld [tilespmem:s17+$0xFFFFFFD0]  }
0x39: {  	s16 =	sshrl.u32 s16, $0x2;
	v5 =	vld [tilespmem:s17+$0xFFFFFFE0]  }
0x3a: {  	v6 =	vld [tilespmem:s17+$0xFFFFFFF0];
	s19 =	sor.u32 $0x4000, s16  }
0x3b: {  	s31 =	sand.u32 $0x1, s13;
	v4 =	vld [tilespmem:s17+$0x0];
	s18 =	sadd.s32 $0x0, s19  }
0x3c: {  	v3 =	vld [tilespmem:s17+$0x10];
	s16 =	smul.u32 $0x8200, s31;
	[tilespmem:s18+$0x1C70 ss:$0x41] =	vst.msk $0xffff, v0  }
0x3d: {  	v2 =	vld [tilespmem:s17+$0x20];
	[tilespmem:s18+$0x410 ss:$0x41] =	vst.msk $0xffff, v1  }
0x3e: {  	s16 =	sshrl.u32 s16, $0x2;
	v1 =	vld [tilespmem:s17+$0xFFFFFFC0];
	[tilespmem:s18+$0x820 ss:$0x41] =	vst.msk $0xffff, v5;
	s17 =	sadd.s32 $0x80, s17  }
0x3f: {  	s20 =	simm.s32 $0x4;
	s21 =	simm.s32 $0x8;
	s16 =	sor.u32 $0x4000, s16;
	[tilespmem:s18+$0xC30 ss:$0x41] =	vst.msk $0xffff, v6;
	v0 =	vld [tilespmem:s17+$0x30]  }
.LBB1_3:
0x40: {  	p1 =	sne.s32 s21, $0xFC;
	v5 =	vld [tilespmem:s17+$0xFFFFFFD0];
	[tilespmem:s18+$0x1040 ss:$0x41] =	vst.msk $0xffff, v4  }
0x41: {  	v6 =	vld [tilespmem:s17+$0xFFFFFFE0];
	[tilespmem:s18+$0x1450 ss:$0x41] =	vst.msk $0xffff, v3  }
0x42: {  	s22 =	sshra.s32 s20, $0x2;
	s20 =	smov.u32 s21;
	v7 =	vld [tilespmem:s17+$0xFFFFFFF0];
	[tilespmem:s18+$0x1860 ss:$0x41] =	vst.msk $0xffff, v2  }
.Ltmp3:
0x43: {  	v4 =	vld [tilespmem:s17+$0x0];
	[tilespmem:s18+$0x0 ss:$0x41] =	vst.msk $0xffff, v1;
	s18 =	sadd.s32 s22, s19;
	(pc) =	sbr.rel @p1 .LBB1_3-.Ltmp3, $4  }
0x44: {  	v3 =	vld [tilespmem:s17+$0x10];
	[tilespmem:s18+$0x1C70 ss:$0x41] =	vst.msk $0xffff, v0  }
0x45: {  	[tilespmem:s18+$0x410 ss:$0x41] =	vst.msk $0xffff, v5;
	v2 =	vld [tilespmem:s17+$0x20]  }
0x46: {  	v1 =	vld [tilespmem:s17+$0xFFFFFFC0];
	[tilespmem:s18+$0x820 ss:$0x41] =	vst.msk $0xffff, v6;
	s17 =	sadd.s32 $0x80, s17  }
0x47: {  	s21 =	sadd.s32 $0x4, s21;
	v0 =	vld [tilespmem:s17+$0x30];
	[tilespmem:s18+$0xC30 ss:$0x41] =	vst.msk $0xffff, v7  }
0x48: {  	s21 =	sshll.u32 s9, $0x7;
	s22 =	sshll.u32 s10, $0x3;
	s20 =	sshra.s32 s20, $0x2  }
0x49: {  	p1 =	sgt.s32 s9, $0xF41C0;
	s30 =	sshra.s32 s9, $0x1F;
	s25 =	sshra.s32 s10, $0x1F  }
0x4a: {  	v5 =	vld [tilespmem:s17+$0xFFFFFFD0];
	s28 =	sshrl.u32 s10, $0x3;
	s23 =	sand.u32 $0xFFFFFC00, s21;
	s22 =	sand.u32 $0xFFFFFC00, s22  }
0x4b: {  	[tilespmem:s18+$0x1040 ss:$0x41] =	vst.msk $0xffff, v4;
	v58 =	vld [tilespmem:s17+$0xFFFFFFE0];
	s21 =	sand.u32 $0x380, s21;
	s19 =	sadd.s32 s20, s19;
	s22 =	sadd.s32 s22, s23  }
0x4c: {  	v59 =	vld [tilespmem:s17+$0xFFFFFFF0];
	[tilespmem:s18+$0x1450 ss:$0x41] =	vst.msk $0xffff, v3;
	s29 =	sor.u32 s21, s22;
	s21 =	smov.u32 s9;
	s22 =	sand.u32 s30, s9  }
0x4d: {  	v60 =	vld [tilespmem:s17+$0x0];
	[tilespmem:s18+$0x1860 ss:$0x41] =	vst.msk $0xffff, v2;
	s30 =	sand.u32 $0x7, s10;
	s20 =	sshrl.u32 s29, $0x7;
	s21 =	simm.s32 @!p1 $0xF41C0  }
0x4e: {  	v61 =	vld [tilespmem:s17+$0x10];
	[tilespmem:s18+$0x0 ss:$0x41] =	vst.msk $0xffff, v1;
	p1 =	sgt.s32 s10, $0x40;
	s24 =	ssub.s32 s21, s22;
	s21 =	smov.u32 s10  }
0x4f: {  	v62 =	vld [tilespmem:s17+$0x20];
	[tilespmem:s19+$0x1C70 ss:$0x41] =	vst.msk $0xffff, v0;
	s31 =	smulhi.u32 $0x218DEF5, s20;
	s22 =	sand.u32 s25, s10;
	s21 =	simm.s32 @!p1 $0x40  }
0x50: {  	v63 =	vld [tilespmem:s17+$0xFFFFFFC0];
	[tilespmem:s19+$0x410 ss:$0x41] =	vst.msk $0xffff, v5;
	s26 =	sadd.s32 $0xFFF0BE40, s24;
	s17 =	ssub.s32 $0xF4240, s24;
	s21 =	ssub.s32 s21, s22  }
0x51: {  	[tilespmem:s19+$0x820 ss:$0x41] =	vst.msk $0xffff, v58;
	s23 =	sshrl.u32 s31, $0xD;
	p1 =	sgt.s32 s26, $0x7F;
	s27 =	sadd.s32 $0xFFFFFFC0, s21  }
0x52: {  	[tilespmem:s19+$0xC30 ss:$0x41] =	vst.msk $0xffff, v59;
	s23 =	smul.u32 $0xF4240, s23;
	s18 =	ssub.s32 $0x80, s21;
	p2 =	sgt.s32 s27, $0x3F  }
.Ltmp4:
0x53: {  	[tilespmem:s19+$0x1040 ss:$0x41] =	vst.msk $0xffff, v60;
	s17 =	simm.s32 @p1 $0x0;
	s18 =	simm.s32 @p2 $0x0;
	(pc) =	sbr.rel .LBB1_5-.Ltmp4, $4  }
0x54: {  	s29 =	sand.u32 $0xF, s28;
	[tilespmem:s19+$0x1450 ss:$0x41] =	vst.msk $0xffff, v61;
	s20 =	ssub.s32 s20, s23;
	s17 =	smul.u32 s18, s17  }
0x55: {  	[tilespmem:s19+$0x1860 ss:$0x41] =	vst.msk $0xffff, v62;
	s21 =	sshll.u32 s30, $0x12;
	s20 =	sshll.u32 s20, $0x4;
	s18 =	sadd.s32 s5, s29  }
0x56: {  	[tilespmem:s19+$0x0 ss:$0x41] =	vst.msk $0xffff, v63;
	s31 =	sor.u32 $0x40, s21;
	s18 =	sadd.s32 s20, s18;
	s17 =	sand.u32 $0x3FFFFFFF, s17  }
0x57: {  	[hbm4b:s18+s31] =	stream.strided.scatter [tilespmem:s16], [sflag:$0x2], s17, s8, s31, $0x18;
	[tilespmem:$0x8100] =	vst v63  }
.LBB1_6:
0x58: {  	_ =	sfence.sel $0x180000  }
0x59: {  	s2 =	simm.s32 $0x1;
	[bflag:$0x0] =	sbarrier.arrive $0xFFFF  }
0x5a: {  	s31 =	simm.s32 $0x2;
	[sflag:s2] =	ssyncpa.u1 $0x1  }
0x5b: {  	[sflag:s31] =	ssyncpa.u1 $0x1  }
0x5c: {  	p0 =	sne.s32 s1, $0x0;
	_ =	strace $0x90000047  }
0x5d: {  	s0 =	sadd.s32 @!p0 $0x100000, s0;
	[bflag:$0x2] =	sbarrier.arrive $0xFFFF  }
0x5e: {  	[sflag:s0] =	ssyncadd.tile.s32 @!p0 $0x1;
	_ =	shalt  }
.Lfunc_end1:
_tile_overlayer_lowered:
.L_overlay_start_2:
0x5f: {  	(tag) =	ssettag $0x2  }
0x60: {  	s0 =	rddreg [dreg:$0x0];
	s2 =	stileid.u32  }
0x61: {  	s1 =	rddreg [dreg:$0x1];
	p0 =	sne.s32 s2, $0x0  }
0x62: {  	s3 =	rddreg [dreg:$0x2];
	[bflag:$0x3] =	sbarrier.arrive $0xFFFF;
	s2 =	simm.s32 @!p0 $0x1C01  }
0x63: {  	[timem:s3], [sflag:s2] =	dma.local @!p0 [hbm:s0], s1  }
0x64: {  	s0 =	simm.s32 @!p0 $0x1  }
0x65: {  	_ =	swait.ge @!p0 [sflag:s0], s1  }
0x66: {  	s1 =	ssub.s32 @!p0 $0x0, s1;
	[sflag:s0] =	ssyncset.done @!p0 $0x0  }
0x67: {  	[sflag:s0] =	ssyncadd.s32 @!p0 s1  }
0x68: {  	[bflag:$0x3] =	sbarrier.arrive $0xFFFF  }
0x69: {  	_ =	shalt  }

// kernel: sparse-core-data-format-call.cloned.1.call-start
scs
called_computation_lowered:
.L_overlay_start_0:
0x0: {  	s2 =	sld [smem:$0x3FD9]  }
0x1: {  	s3 =	sld [smem:$0x3FFE];
	_ =	sdelay $0x1  }
0x2: {  	s1 =	srdreg.scid  }
0x3: {  	s0 =	sand.u32 $0x1, s1  }
0x4: {  	s18 =	sshll.u32 s0, $0xA;
	s2 =	sadd.s32 s3, s2  }
0x5: {  	s2 =	sadd.s32 s2, s18  }
0x6: {  	[smem:$0x3FC6] =	sst s2  }
0x7: {  	_ = 	snop  }
0x8: {  	s2 =	sld [smem:$0x3FD0];
	(tm) =	ssettm $0x1  }
0x9: {  	s19 =	sld [smem:$0x3FFB];
	_ =	sdelay $0x3  }
0xa: {  	_ =	strace s19  }
0xb: {  	s3 =	sld [smem:$0x3FFC];
	_ =	sdelay $0x3  }
0xc: {  	_ =	strace s3  }
0xd: {  	s3 =	sld [smem:$0x3FFD];
	_ =	sdelay $0x3  }
0xe: {  	_ =	strace s3  }
0xf: {  	_ =	strace $0x8FFFFFFF  }
0x10: {  	s20 =	sld [smem:$0x3FDB];
	_ =	sdelay $0x1  }
0x11: {  	s4 =	simm.s32 $_scs_section_size  }
0x12: {  	s5 =	simm.s32 $_size__tile_overlayer_lowered;
	s6 =	simm.s32 $_tile_overlayer_lowered  }
0x13: {  	s23 =	simm.s32 $0x1BFF;
	s22 =	sshll.u32 s6, $0x1;
	s3 =	sadd.s32 s4, s20  }
0x14: {  	s7 =	simm.s32 $0x0;
	s21 =	sshll.u32 s5, $0x1;
	s5 =	sadd.s32 s22, s3  }
0x15: {  	[timem:s7], [sflag:s23] =	dma.local [hbm:s5], s21  }
0x16: {  	_ =	swait.ge [sflag:s23], s21  }
0x17: {  	s4 =	ssub.s32 $0x0, s21;
	[sflag:s23] =	ssyncset.done $0x0  }
0x18: {  	[sflag:s23] =	ssyncadd.s32 s4;
	_ =	sdelay $0x1  }
0x19: {  	s24 =	simm.s32 $0x1B8B  }
0x1a: {  	_ =	swait.ge [sflag:s24], $0x1  }
0x1b: {  	[sflag:s24] =	ssyncset.done $0x0  }
0x1c: {  	s26 =	simm.s32 $0x1B8E;
	s25 =	sld [smem:$0x3FFE];
	[sflag:s24] =	ssyncadd.s32 $0xFFFFFFFF  }
0x1d: {  	s27 =	simm.s32 $execute0_lowered;
	[smem:$0x3FD2] =	sst s26  }
0x1e: {  	s5 =	sshll.u32 s27, $0x1;
	_ =	strace $0x8000004C;
	[dreg:$0x1] =	wrdreg $0xFFFFFFFF  }
0x1f: {  	s28 =	simm.s32 $_size_execute0_lowered;
	s3 =	sadd.s32 s3, s5;
	[dreg:$0x0] =	wrdreg $0x0  }
0x20: {  	s5 =	sshll.u32 s28, $0x1;
	[dreg:$0x2] =	wrdreg s3  }
0x21: {  	[dreg:$0x3] =	wrdreg s5  }
0x22: {  	[dreg:$0x4] =	wrdreg $0xC0  }
0x23: {  	_ =	task [dreg:s7], $0x5FFFF  }
0x24: {  	[dreg:$0x1] =	wrdreg $0xFFFFFFFF  }
0x25: {  	[dreg:$0x0] =	wrdreg $0x60  }
0x26: {  	[dreg:$0x2] =	wrdreg s25  }
0x27: {  	[dreg:$0x3] =	wrdreg s2  }
0x28: {  	[dreg:$0x4] =	wrdreg $0x9  }
0x29: {  	_ =	task.clear_ibuf [dreg:s7], $0x5FFFF;
	_ =	strace $0x9000004C  }
0x2a: {  	s29 =	simm.s32 $0x9;
	_ =	strace $0x8000004E  }
0x2b: {  	_ =	swait.ge [sflag:s29], $0x1  }
0x2c: {  	[sflag:s29] =	ssyncadd.s32 $0xFFFFFFFF  }
0x2d: {  	_ =	strace $0x9000004E  }
0x2e: {  	_ =	sfence  }
0x2f: {  	s30 =	sld [smem:$0x0];
	_ =	sdelay $0x2  }
0x30: {  	s31 =	sshll.u32 s1, $0xD;
	s1 =	sshrl.u32 s1, $0x2  }
0x31: {  	s3 =	sand.u32 $0x4000, s31;
	s1 =	sadd.s32 s1, s30  }
0x32: {  	s0 =	sor.u32 s3, s0;
	s1 =	sshll.u32 s1, $0x11  }
0x33: {  	s0 =	sor.u32 s1, s0  }
0x34: {  	s0 =	sadd.s32 $0x8F2B, s0  }
0x35: {  	[sflag:s0] =	ssyncadd.remote.s32 $0x1  }
0x36: {  	_ =	sfence.sel $0xFFFF  }
0x37: {  	[dreg:$0x0] =	wrdreg $0xFFFFFFFF;
	(pc) =	sbr.abs _section_cstart, $3  }
0x38: {  	[dreg:$0x1] =	wrdreg $0xFFFFFFFF  }
0x39: {  	_ =	task.clear_ibuf [dreg:s7], $0x2FFFF;
	_ =	strace $0x9FFFFFFF  }
0x3a: {  	(tm) =	ssettm $0x7FFFFFFF  }
0x3b: {  	_ =	shalt  }
tec
execute0_lowered:
.L_overlay_start_1:
0x0: {  	(tag) =	ssettag $0x1  }
0x1: {  	s0 =	srdreg.scid  }
0x2: {  	s1 =	sshll.u32 s0, $0x4  }
0x3: {  	s5 =	rddreg [dreg:$0x0];
	s0 =	stileid.u32;
	s1 =	sand.u32 $0x10, s1  }
0x4: {  	s3 =	rddreg [dreg:$0x1];
	s31 =	simm.s32 $0x2;
	s4 =	sor.u32 s0, s1  }
0x5: {  	s13 =	simm.s32 $0x0;
	s9 =	simm.s32 $0x400;
	s2 =	sshll.u32 s4, $0x7  }
0x6: {  	s10 =	simm.s32 $0x8000;
	s14 =	simm.s32 $0x0;
	s6 =	ssub.s32 $0x1000, s2  }
0x7: {  	s1 =	rddreg [dreg:$0x2];
	_ =	strace $0x8000004D;
	s7 =	sand.u32 $0xF80, s6  }
0x8: {  	s4 =	sshll.u32 s4, $0xB;
	p0 =	sne.s32 s7, $0x0;
	s7 =	simm.s32 $0x1  }
.Ltmp0:
0x9: {  	s6 =	sshrl.u32 s6, $0xC;
	s7 =	simm.s32 @!p0 $0x0;
	(pc) =	sbr.rel .LBB1_1-.Ltmp0, $4  }
0xa: {  	s8 =	sadd.s32 s4, s5;
	s4 =	simm.s32 $0x1;
	s30 =	sadd.s32 s7, s6  }
0xb: {  	s11 =	simm.s32 $0x0;
	[sflag:s4] =	ssyncpa.u1 $0x0;
	s5 =	smul.u32 $0x64, s30  }
0xc: {  	s12 =	simm.s32 $0x0;
	[sflag:s31] =	ssyncpa.u1 $0x0;
	p0 =	por $0x0, $0x0  }
0xd: {  	s6 =	sadd.s32 $0xE00, s8;
	s7 =	sadd.s32 $0x10E00, s8;
	s8 =	sor.u32 $0x1, s5  }
.LBB1_7:
0xe: {  	s15 =	sadd.s32 $0x2, s11  }
0xf: {  	p2 =	sgt.s32 s15, $0xC7  }
0x10: {  	s15 =	simm.s32 @p2 $0x0;
	p2 =	sne.s32 s12, s8  }
.Ltmp1:
0x11: {  	p1 =	slt.u32 s12, $0x2;
	(pc) =	sbr.rel @!p2 .LBB1_8-.Ltmp1, $4  }
0x12: {  	s13 =	simm.s32 @!p1 $0x2  }
0x13: {  	s16 =	sadd.s32 $0x1, s12;
	s14 =	smov.u32 s11;
	_ =	swait.ge @!p1 [sflag:s13], $0x4000  }
0x14: {  	p0 =	por !p0, !p0;
	s12 =	smov.u32 s16;
	[sflag:s13] =	ssyncset.done @!p1 $0x0  }
0x15: {  	s11 =	smov.u32 s15;
	[sflag:s13] =	ssyncadd.s32 @!p1 $0xFFFFC000;
	s13 =	smov.u32 s2  }
.LBB1_1:
0x16: {  	p1 =	sge.u32 s12, s5  }
0x17: {  	s15 =	sxor.u32 @!p1 $0xFFFFFFFF, s12  }
0x18: {  	s16 =	sshll.u32 @!p1 s11, $0x10;
	s18 =	simm.s32 @!p1 $0x40;
	s15 =	sshll.u32 @!p1 s15, $0xE  }
0x19: {  	s19 =	simm.s32 @!p1 $0x80;
	s17 =	sadd.s32 @!p1 s16, s6;
	s15 =	sand.u32 @!p1 $0x4000, s15  }
0x1a: {  	[tilespmem:s15], [sflag:$0x1] =	stream.strided.gather @!p1 [hbm4b:s17+s18], $0x2000, s19, s18, $0x38;
	[tilespmem:$0x10100] =	vst v63  }
0x1b: {  	s31 =	sadd.s32 $0xFFFFFFFF, s12;
	s16 =	sadd.s32 @!p1 s16, s7;
	s15 =	sor.u32 @!p1 $0x2000, s15  }
0x1c: {  	[tilespmem:s15], [sflag:$0x1] =	stream.strided.gather @!p1 [hbm4b:s16+s18], $0x2000, s19, s18, $0x38;
	[tilespmem:$0x10100] =	vst v63  }
0x1d: {  	p1 =	sge.u32 s31, s5  }
.Ltmp2:
0x1e: {  	_ = 	snop;
	(pc) =	sbr.rel @p1 .LBB1_7-.Ltmp2, $1  }
0x1f: {  	_ =	sdelay $0x3  }
0x20: {  	s15 =	simm.s32 $0x1;
	s17 =	sand.u32 $0x1, s12  }
0x21: {  	_ =	swait.ge [sflag:s4], $0x4000;
	s15 =	simm.s32 @!p0 $0x0;
	s17 =	smul.u32 $0x10200, s17  }
0x22: {  	p2 =	por $0x1, $0x1;
	[sflag:s4] =	ssyncset.done $0x0;
	s16 =	smul.u32 $0x10200, s15  }
0x23: {  	s18 =	sshll.u32 s15, $0x10;
	[sflag:s4] =	ssyncadd.s32 $0xFFFFC000;
	s30 =	sshrl.u32 s17, $0x2  }
0x24: {  	s31 =	sshrl.u32 s18, $0x2;
	s18 =	simm.s32 $0x0;
	s16 =	sshrl.u32 s16, $0x2  }
0x25: {  	s15 =	sor.u32 $0x8000, s30;
	s17 =	sadd.s32 $0x20, s31;
	s16 =	sor.u32 $0x8000, s16  }
.LBB1_3:
0x26: {  	s19 =	sshll.u32 s18, $0xD  }
0x27: {  	s19 =	sand.u32 $0x3FFFE000, s19  }
0x28: {  	s21 =	sadd.s32 s19, s17  }
0x29: {  	s31 =	smul.u32 $0x8100, s18;
	v3 =	vld [tilespmem:s21+$0x10]  }
0x2a: {  	v1 =	vld [tilespmem:s21+$0xFFFFFFF0]  }
0x2b: {  	s18 =	sshra.s32 s31, $0x2;
	v0 =	vld [tilespmem:s21+$0x0]  }
0x2c: {  	s18 =	sadd.s32 s18, s16;
	v2 =	vld [tilespmem:s21+$0xFFFFFFE0]  }
0x2d: {  	s19 =	sadd.s32 $0x0, s18  }
0x2e: {  	p1 =	por p2, p2;
	s20 =	simm.s32 $0x4;
	s21 =	sadd.s32 $0x40, s21;
	[tilespmem:s19+$0x1830 ss:$0x81] =	vst.msk $0xffff, v3  }
.LBB1_4:
0x2f: {  	v3 =	vld [tilespmem:s21+$0x10];
	p2 =	sne.s32 s20, $0x1FC;
	[tilespmem:s19+$0x810 ss:$0x81] =	vst.msk $0xffff, v1;
	s22 =	smov.u32 s20;
	s20 =	sadd.s32 $0x4, s20  }
.Ltmp3:
0x30: {  	v1 =	vld [tilespmem:s21+$0xFFFFFFF0];
	[tilespmem:s19+$0x1020 ss:$0x81] =	vst.msk $0xffff, v0;
	(pc) =	sbr.rel @p2 .LBB1_4-.Ltmp3, $4  }
0x31: {  	v0 =	vld [tilespmem:s21+$0x0];
	[tilespmem:s19+$0x0 ss:$0x81] =	vst.msk $0xffff, v2  }
0x32: {  	s19 =	sshra.s32 s22, $0x2;
	v2 =	vld [tilespmem:s21+$0xFFFFFFE0]  }
0x33: {  	s19 =	sadd.s32 s19, s18  }
0x34: {  	s21 =	sadd.s32 $0x40, s21;
	[tilespmem:s19+$0x1830 ss:$0x81] =	vst.msk $0xffff, v3  }
.Ltmp4:
0x35: {  	(pc) =	sbr.rel @p1 .LBB1_3-.Ltmp4, $4  }
0x36: {  	_ = 	snop  }
0x37: {  	[tilespmem:s19+$0x810 ss:$0x81] =	vst.msk $0xffff, v1  }
0x38: {  	[tilespmem:s19+$0x1020 ss:$0x81] =	vst.msk $0xffff, v0  }
0x39: {  	s18 =	simm.s32 $0x1;
	p2 =	por $0x0, $0x0;
	[tilespmem:s19+$0x0 ss:$0x81] =	vst.msk $0xffff, v2  }
.Ltmp5:
0x3a: {  	(pc) =	sbr.rel .LBB1_7-.Ltmp5, $4  }
0x3b: {  	s14 =	sshll.u32 s14, $0xF  }
0x3c: {  	s14 =	sadd.s32 s3, s14  }
0x3d: {  	s13 =	sadd.s32 s13, s14  }
0x3e: {  	[hbm4b:s13+s9] =	stream.strided.scatter [tilespmem:s15], [sflag:$0x2], $0x4000, s10, s9, $0x20;
	[tilespmem:$0x10100] =	vst v63  }
.LBB1_8:
0x3f: {  	_ =	sfence.sel $0x180000  }
0x40: {  	s2 =	simm.s32 $0x1;
	[bflag:$0x0] =	sbarrier.arrive $0xFFFF  }
0x41: {  	s31 =	simm.s32 $0x2;
	[sflag:s2] =	ssyncpa.u1 $0x1  }
0x42: {  	[sflag:s31] =	ssyncpa.u1 $0x1  }
0x43: {  	p0 =	sne.s32 s0, $0x0;
	_ =	strace $0x9000004D  }
0x44: {  	s0 =	sadd.s32 @!p0 $0x100000, s1;
	[bflag:$0x2] =	sbarrier.arrive $0xFFFF  }
0x45: {  	[sflag:s0] =	ssyncadd.tile.s32 @!p0 $0x1;
	_ =	shalt  }
.Lfunc_end1:
_tile_overlayer_lowered:
.L_overlay_start_2:
0x46: {  	(tag) =	ssettag $0x2  }
0x47: {  	s0 =	rddreg [dreg:$0x0];
	s2 =	stileid.u32  }
0x48: {  	s1 =	rddreg [dreg:$0x1];
	p0 =	sne.s32 s2, $0x0  }
0x49: {  	s3 =	rddreg [dreg:$0x2];
	[bflag:$0x3] =	sbarrier.arrive $0xFFFF;
	s2 =	simm.s32 @!p0 $0x1C01  }
0x4a: {  	[timem:s3], [sflag:s2] =	dma.local @!p0 [hbm:s0], s1  }
0x4b: {  	s0 =	simm.s32 @!p0 $0x1  }
0x4c: {  	_ =	swait.ge @!p0 [sflag:s0], s1  }
0x4d: {  	s1 =	ssub.s32 @!p0 $0x0, s1;
	[sflag:s0] =	ssyncset.done @!p0 $0x0  }
0x4e: {  	[sflag:s0] =	ssyncadd.s32 @!p0 s1  }
0x4f: {  	[bflag:$0x3] =	sbarrier.arrive $0xFFFF  }
0x50: {  	_ =	shalt  }

</sc_bundles>
